<compile_context>
chip_gen: v7x
topology: tpu7x:2x2x1
jax: 0.10.2.dev20260603
libtpu: 0.0.44.dev20260713+nightly
codegen_flags: <defaults>
</compile_context>

<pallas_src>
import jax
import jax.numpy as jnp
import numpy as np
from jax.experimental import pallas as pl
from jax.experimental.pallas import tpu as pltpu

_F32 = jnp.float32
_BF16 = jnp.bfloat16


def _lrelu(x):
    return jnp.where(x >= 0, x, 0.01 * x)


def _conv_rows(cx, Wk, b, H, out_dtype=_F32):
    _, Wg, K = cx.shape
    N = Wk.shape[2]
    zr = jnp.zeros((1, Wg, K), cx.dtype)
    cp = jnp.concatenate([zr, cx, zr], axis=0)
    acc = None
    for ky in range(3):
        m = jnp.dot(cp[ky:ky + H].reshape(H * Wg, K), Wk[ky],
                    preferred_element_type=_F32)
        acc = m if acc is None else acc + m
    acc = acc.reshape(H, Wg, N)
    if b is not None:
        acc = acc + b
    return acc.astype(out_dtype)


def _conv3x3g(a, Wk, b, C, out_dtype=_F32):
    H, Wg, L = a.shape
    z1 = jnp.zeros((H, 1, C), a.dtype)
    lh = jnp.concatenate([z1, a[:, :Wg - 1, L - C:]], axis=1)
    rh = jnp.concatenate([a[:, 1:, :C], z1], axis=1)
    cx = jnp.concatenate([a, lh, rh], axis=-1)
    return _conv_rows(cx, Wk, b, H, out_dtype)


def _hpool(a, kh):
    H, Wg, L = a.shape
    r = a.reshape(H // kh, kh, Wg, L)
    o = r[:, 0]
    for i in range(1, kh):
        o = jnp.maximum(o, r[:, i])
    return o


def _convtg(a, U, b, s):
    H, Wg, L = a.shape
    N = U.shape[-1]
    af = a.reshape(H * Wg, L)
    parts = []
    for ry in range(s):
        p = jnp.dot(af, U[ry], preferred_element_type=_F32)
        p = _lrelu(p.reshape(H, Wg, N) + b).astype(_BF16)
        parts.append(p[:, None])
    return jnp.concatenate(parts, axis=1).reshape(H * s, Wg, N)


def _vae_kernel(x_ref, eps_ref,
                W1, bt1, W2, bt2, W3, bt3, WML, bml, WU0, btu0,
                U1, btu1, W4, bt4, U2, btu2, W5, bt5, U3, btu3, W6, bt6,
                recon_ref, mu_ref, lv_ref, z_ref):
    x = x_ref[0]

    o = _conv3x3g(x, W1[...], None, C=6)
    o = _lrelu(_hpool(jnp.maximum(o[..., :64], o[..., 64:]), 2) + bt1[...])
    o = _conv3x3g(o, W2[...], None, C=8)
    o = _lrelu(_hpool(jnp.maximum(o[..., :64], o[..., 64:]), 5) + bt2[...])
    o = _conv3x3g(o, W3[...], None, C=16)
    o = _lrelu(_hpool(jnp.maximum(o[..., :64], o[..., 64:]), 5) + bt3[...])

    c = jnp.concatenate([o[:, 0:14], o[:, 1:15], o[:, 2:16]], axis=-1)
    ml = jnp.dot(c.reshape(140, 192), WML[...],
                 preferred_element_type=_F32).reshape(10, 14, 4) + bml[...]
    mu = ml[..., 0:2]
    lv = ml[..., 2:4]
    z = mu + eps_ref[0] * jnp.exp(0.5 * lv)
    mu_ref[0] = mu
    lv_ref[0] = lv
    z_ref[0] = z

    zb = z.astype(_BF16)
    zg = jnp.zeros((10, 2, 2), _BF16)
    zp = jnp.concatenate([zg, zb, zg], axis=1)
    cz = jnp.concatenate([zp[:, 0:16], zp[:, 1:17], zp[:, 2:18]], axis=-1)
    o = _lrelu(jnp.dot(cz.reshape(160, 6), WU0[...],
                       preferred_element_type=_F32).reshape(10, 16, 64)
               + btu0[...]).astype(_BF16)

    o = _convtg(o, U1[...], btu1[...], 5)
    o = _lrelu(_conv3x3g(o, W4[...], bt4[...], C=32, out_dtype=_BF16))
    o = _convtg(o, U2[...], btu2[...], 5)
    o = _lrelu(_conv3x3g(o, W5[...], bt5[...], C=16, out_dtype=_BF16))
    o = _convtg(o, U3[...], btu3[...], 2)
    o = _lrelu(_conv3x3g(o, W6[...], bt6[...], C=8, out_dtype=_BF16))
    recon_ref[0] = o


def _band_w(w, G, parity=False):
    kh, kw, C, Co = w.shape
    S = np.zeros((kw, G, G + 2), np.float32)
    for g in range(G):
        gc = ((g % 2) * (G // 2) + g // 2) if parity else g
        for kx in range(kw):
            d = g + kx - 1
            r = G if d == -1 else (G + 1 if d == G else d)
            S[kx, gc, r] = 1.0
    return jnp.einsum('kgr,ykio->yrigo', S, w).reshape(kh, (G + 2) * C, G * Co)


def _band_tw(w, G):
    wf = w[::-1, ::-1]
    s, t, Ci, Co = wf.shape
    eye = np.eye(G, dtype=np.float32)
    return jnp.einsum('gh,yxio->ygihxo', eye, wf).reshape(s, G * Ci, G * t * Co)


def _ml_w(wmu, wlv):
    S = np.zeros((5, 2, 6), np.float32)
    for g in range(2):
        for kx in range(5):
            S[kx, g, g + kx] = 1.0
    w2 = jnp.concatenate([wmu[0, :, :, 0][None], wlv[0, :, :, 0][None]], 0)
    return jnp.einsum('kgd,mki->dimg', S, w2).reshape(192, 4)


def _u0_w(wu0):
    S = np.zeros((5, 2, 6), np.float32)
    for g in range(2):
        for j in range(5):
            S[j, g, g + j] = 1.0
    return jnp.einsum('jgr,jo->rgo', S, wu0[0, :, 0, :]).reshape(6, 64)


@jax.jit
def kernel(input, w1, b1, w2, b2, w3, b3, wmu, bmu, wlv, blv, wu0, bu0,
           wu1, bu1, w4, b4, wu2, bu2, w5, b5, wu3, bu3, w6, b6):
    B = input.shape[0]
    xg = jnp.transpose(input, (0, 2, 3, 1)).reshape(B, 500, 16, 96)
    eps = jax.random.normal(jax.random.key(42), (B, 10, 28, 1), _F32)
    eps_g = eps.reshape(B, 10, 14, 2)

    def row(b):
        return b.reshape(1, -1)

    def bw(m):
        return m.astype(_BF16)

    wvals = [
        _band_w(w1, 16, parity=True), row(jnp.tile(b1, 8)),
        _band_w(w2, 8, parity=True), row(jnp.tile(b2, 4)),
        _band_w(w3, 4, parity=True), row(jnp.tile(b3, 2)),
        _ml_w(wmu, wlv), row(jnp.concatenate([bmu, bmu, blv, blv])),
        bw(_u0_w(wu0)), row(jnp.tile(bu0, 2)),
        bw(_band_tw(wu1, 2)), row(jnp.tile(bu1, 4)),
        bw(_band_w(w4, 4)), row(jnp.tile(b4, 4)),
        bw(_band_tw(wu2, 4)), row(jnp.tile(bu2, 8)),
        bw(_band_w(w5, 8)), row(jnp.tile(b5, 8)),
        bw(_band_tw(wu3, 8)), row(jnp.tile(bu3, 16)),
        bw(_band_w(w6, 16)), row(jnp.tile(b6, 16)),
    ]

    def bspec(shape, mapped_batch):
        if mapped_batch:
            return pl.BlockSpec((1,) + shape, lambda b: (b,) + (0,) * len(shape))
        return pl.BlockSpec(shape, lambda b, _n=len(shape): (0,) * _n)

    in_specs = [bspec((500, 16, 96), True), bspec((10, 14, 2), True)]
    in_specs += [bspec(v.shape, False) for v in wvals]
    out_specs = [bspec((500, 16, 96), True), bspec((10, 14, 2), True),
                 bspec((10, 14, 2), True), bspec((10, 14, 2), True)]
    out_shape = [jax.ShapeDtypeStruct((B, 500, 16, 96), _BF16),
                 jax.ShapeDtypeStruct((B, 10, 14, 2), _F32),
                 jax.ShapeDtypeStruct((B, 10, 14, 2), _F32),
                 jax.ShapeDtypeStruct((B, 10, 14, 2), _F32)]

    recon_g, mu_g, lv_g, z_g = pl.pallas_call(
        _vae_kernel,
        grid=(B,),
        in_specs=in_specs,
        out_specs=out_specs,
        out_shape=out_shape,
        compiler_params=pltpu.CompilerParams(
            dimension_semantics=("parallel",)),
    )(xg, eps_g, *wvals)

    recon = jnp.transpose(recon_g.reshape(B, 500, 256, 6),
                          (0, 3, 1, 2)).astype(_F32)
    return (recon, mu_g.reshape(B, -1), lv_g.reshape(B, -1),
            z_g.reshape(B, -1))

# --- scband reference (transcript-rebuilt; emitter-appended) ---
"""Pipeline reference for scband-sparse-vae2-34376918237635 (READ-ONLY COPY).

The authoritative reference and input builder live on the scoring server;
editing this copy changes nothing except your own understanding.
"""

import jax, jax.numpy as jnp
import numpy as np

DN = ('NHWC', 'HWIO', 'NHWC')

def lrelu(x):
    return jax.nn.leaky_relu(x, 0.01)

def conv_same(x, w, b):
    return jax.lax.conv_general_dilated(x, w, (1, 1), 'SAME', dimension_numbers=DN) + b

def conv_valid(x, w, b):
    return jax.lax.conv_general_dilated(x, w, (1, 1), 'VALID', dimension_numbers=DN) + b

def maxpool(x, k, s):
    return jax.lax.reduce_window(x, -jnp.inf, jax.lax.max, (1, k[0], k[1], 1), (1, s[0], s[1], 1), 'VALID')

def convT(x, w, b, s):
    return jax.lax.conv_transpose(x, w, s, 'VALID', dimension_numbers=DN) + b

def setup_inputs(seed: int = 0):
    key = jax.random.key(seed)
    ks = jax.random.split(key, 30)
    B, H, W = 16, 500, 256
    def w(k, shape):
        return jax.random.normal(k, shape, jnp.float32) * 0.1
    d = {}
    d['input'] = jax.random.normal(ks[0], (B, 6, H, W), jnp.float32)
    d['w1'] = w(ks[1], (3, 3, 6, 8));    d['b1'] = w(ks[2], (8,))
    d['w2'] = w(ks[3], (3, 3, 8, 16));   d['b2'] = w(ks[4], (16,))
    d['w3'] = w(ks[5], (3, 3, 16, 32));  d['b3'] = w(ks[6], (32,))
    d['wmu'] = w(ks[7], (1, 5, 32, 1));  d['bmu'] = w(ks[8], (1,))
    d['wlv'] = w(ks[9], (1, 5, 32, 1));  d['blv'] = w(ks[10], (1,))
    d['wu0'] = w(ks[11], (1, 5, 1, 32)); d['bu0'] = w(ks[12], (32,))
    d['wu1'] = w(ks[13], (5, 2, 32, 32)); d['bu1'] = w(ks[14], (32,))
    d['w4'] = w(ks[15], (3, 3, 32, 16)); d['b4'] = w(ks[16], (16,))
    d['wu2'] = w(ks[17], (5, 2, 16, 16)); d['bu2'] = w(ks[18], (16,))
    d['w5'] = w(ks[19], (3, 3, 16, 8));  d['b5'] = w(ks[20], (8,))
    d['wu3'] = w(ks[21], (2, 2, 8, 8));  d['bu3'] = w(ks[22], (8,))
    d['w6'] = w(ks[23], (3, 3, 8, 6));   d['b6'] = w(ks[24], (6,))
    return d

def reference(input, w1, b1, w2, b2, w3, b3, wmu, bmu, wlv, blv, wu0, bu0, wu1, bu1, w4, b4, wu2, bu2, w5, b5, wu3, bu3, w6, b6):
    # Dense-equivalent of the spconv VAE: with a fully-dense (randn) input, every
    # voxel is active, so SubMConv2d == SAME conv, SparseMaxPool == maxpool,
    # SparseConv2d == VALID conv, SparseInverseConv2d == conv_transpose.
    x = jnp.transpose(input, (0, 2, 3, 1))  # NCHW -> NHWC (matches torch.permute + from_dense)
    o = lrelu(conv_same(x, w1, b1))
    o = maxpool(o, (2, 2), (2, 2))
    o = lrelu(conv_same(o, w2, b2))
    o = maxpool(o, (5, 2), (5, 2))
    o = lrelu(conv_same(o, w3, b3))
    o = maxpool(o, (5, 2), (5, 2))
    mu = conv_valid(o, wmu, bmu)
    logvar = conv_valid(o, wlv, blv)
    std = jnp.exp(0.5 * logvar)
    eps = jax.random.normal(jax.random.key(42), std.shape, std.dtype)  # deterministic stand-in for randn_like
    z = mu + eps * std
    o = lrelu(convT(z, wu0, bu0, (1, 1)))
    o = lrelu(convT(o, wu1, bu1, (5, 2)))
    o = lrelu(conv_same(o, w4, b4))
    o = lrelu(convT(o, wu2, bu2, (5, 2)))
    o = lrelu(conv_same(o, w5, b5))
    o = lrelu(convT(o, wu3, bu3, (2, 2)))
    o = lrelu(conv_same(o, w6, b6))
    B = input.shape[0]
    recon = jnp.transpose(o, (0, 3, 1, 2))  # .dense() returns NCHW
    mu_f = jnp.transpose(mu, (0, 3, 1, 2)).reshape(B, -1)
    lv_f = jnp.transpose(logvar, (0, 3, 1, 2)).reshape(B, -1)
    z_f = jnp.transpose(z, (0, 3, 1, 2)).reshape(B, -1)
    return (recon, mu_f, lv_f, z_f)

if __name__ == "__main__":
    import jax
    _d = setup_inputs()
    print(jax.jit(kernel)(*tuple(_d.values())))

</pallas_src>

<mosaic_0001>
module attributes {stable_mosaic.version = 14 : i64} {
  func.func @_vae_kernel(%arg0: i32, %arg1: memref<1x500x16x96xf32, #tpu.memory_space<vmem>>, %arg2: memref<1x10x14x2xf32, #tpu.memory_space<vmem>>, %arg3: memref<3x108x128xf32, #tpu.memory_space<vmem>>, %arg4: memref<1x64xf32, #tpu.memory_space<vmem>>, %arg5: memref<3x80x128xf32, #tpu.memory_space<vmem>>, %arg6: memref<1x64xf32, #tpu.memory_space<vmem>>, %arg7: memref<3x96x128xf32, #tpu.memory_space<vmem>>, %arg8: memref<1x64xf32, #tpu.memory_space<vmem>>, %arg9: memref<192x4xf32, #tpu.memory_space<vmem>>, %arg10: memref<1x4xf32, #tpu.memory_space<vmem>>, %arg11: memref<6x64xbf16, #tpu.memory_space<vmem>>, %arg12: memref<1x64xf32, #tpu.memory_space<vmem>>, %arg13: memref<5x64x128xbf16, #tpu.memory_space<vmem>>, %arg14: memref<1x128xf32, #tpu.memory_space<vmem>>, %arg15: memref<3x192x64xbf16, #tpu.memory_space<vmem>>, %arg16: memref<1x64xf32, #tpu.memory_space<vmem>>, %arg17: memref<5x64x128xbf16, #tpu.memory_space<vmem>>, %arg18: memref<1x128xf32, #tpu.memory_space<vmem>>, %arg19: memref<3x160x64xbf16, #tpu.memory_space<vmem>>, %arg20: memref<1x64xf32, #tpu.memory_space<vmem>>, %arg21: memref<2x64x128xbf16, #tpu.memory_space<vmem>>, %arg22: memref<1x128xf32, #tpu.memory_space<vmem>>, %arg23: memref<3x144x96xbf16, #tpu.memory_space<vmem>>, %arg24: memref<1x96xf32, #tpu.memory_space<vmem>>, %arg25: memref<1x500x16x96xbf16, #tpu.memory_space<vmem>>, %arg26: memref<1x10x14x2xf32, #tpu.memory_space<vmem>>, %arg27: memref<1x10x14x2xf32, #tpu.memory_space<vmem>>, %arg28: memref<1x10x14x2xf32, #tpu.memory_space<vmem>>) attributes {dimension_semantics = [#tpu.dimension_semantics<parallel>], iteration_bounds = array<i64: 16>, scalar_prefetch = 0 : i64, scratch_operands = 0 : i64, tpu.core_type = #tpu.core_type<tc>, window_params = [{transform_indices = @transform_0, window_bounds = array<i64: 1, 500, 16, 96>}, {transform_indices = @transform_1, window_bounds = array<i64: 1, 10, 14, 2>}, {pipeline_mode = #tpu.pipeline_mode<synchronous>, transform_indices = @transform_2, window_bounds = array<i64: 3, 108, 128>}, {pipeline_mode = #tpu.pipeline_mode<synchronous>, transform_indices = @transform_3, window_bounds = array<i64: 1, 64>}, {pipeline_mode = #tpu.pipeline_mode<synchronous>, transform_indices = @transform_4, window_bounds = array<i64: 3, 80, 128>}, {pipeline_mode = #tpu.pipeline_mode<synchronous>, transform_indices = @transform_5, window_bounds = array<i64: 1, 64>}, {pipeline_mode = #tpu.pipeline_mode<synchronous>, transform_indices = @transform_6, window_bounds = array<i64: 3, 96, 128>}, {pipeline_mode = #tpu.pipeline_mode<synchronous>, transform_indices = @transform_7, window_bounds = array<i64: 1, 64>}, {pipeline_mode = #tpu.pipeline_mode<synchronous>, transform_indices = @transform_8, window_bounds = array<i64: 192, 4>}, {pipeline_mode = #tpu.pipeline_mode<synchronous>, transform_indices = @transform_9, window_bounds = array<i64: 1, 4>}, {pipeline_mode = #tpu.pipeline_mode<synchronous>, transform_indices = @transform_10, window_bounds = array<i64: 6, 64>}, {pipeline_mode = #tpu.pipeline_mode<synchronous>, transform_indices = @transform_11, window_bounds = array<i64: 1, 64>}, {pipeline_mode = #tpu.pipeline_mode<synchronous>, transform_indices = @transform_12, window_bounds = array<i64: 5, 64, 128>}, {pipeline_mode = #tpu.pipeline_mode<synchronous>, transform_indices = @transform_13, window_bounds = array<i64: 1, 128>}, {pipeline_mode = #tpu.pipeline_mode<synchronous>, transform_indices = @transform_14, window_bounds = array<i64: 3, 192, 64>}, {pipeline_mode = #tpu.pipeline_mode<synchronous>, transform_indices = @transform_15, window_bounds = array<i64: 1, 64>}, {pipeline_mode = #tpu.pipeline_mode<synchronous>, transform_indices = @transform_16, window_bounds = array<i64: 5, 64, 128>}, {pipeline_mode = #tpu.pipeline_mode<synchronous>, transform_indices = @transform_17, window_bounds = array<i64: 1, 128>}, {pipeline_mode = #tpu.pipeline_mode<synchronous>, transform_indices = @transform_18, window_bounds = array<i64: 3, 160, 64>}, {pipeline_mode = #tpu.pipeline_mode<synchronous>, transform_indices = @transform_19, window_bounds = array<i64: 1, 64>}, {pipeline_mode = #tpu.pipeline_mode<synchronous>, transform_indices = @transform_20, window_bounds = array<i64: 2, 64, 128>}, {pipeline_mode = #tpu.pipeline_mode<synchronous>, transform_indices = @transform_21, window_bounds = array<i64: 1, 128>}, {pipeline_mode = #tpu.pipeline_mode<synchronous>, transform_indices = @transform_22, window_bounds = array<i64: 3, 144, 96>}, {pipeline_mode = #tpu.pipeline_mode<synchronous>, transform_indices = @transform_23, window_bounds = array<i64: 1, 96>}, {transform_indices = @transform_24, window_bounds = array<i64: 1, 500, 16, 96>}, {transform_indices = @transform_25, window_bounds = array<i64: 1, 10, 14, 2>}, {transform_indices = @transform_26, window_bounds = array<i64: 1, 10, 14, 2>}, {transform_indices = @transform_27, window_bounds = array<i64: 1, 10, 14, 2>}]} {
    %get3A = arith.constant 0 : index
    %get3A_0 = arith.constant 0 : index
    %get3A_1 = arith.constant 0 : index
    %get3A_2 = arith.constant 0 : index
    %get3A_3 = vector.load %arg1[%get3A, %get3A_0, %get3A_1, %get3A_2] : memref<1x500x16x96xf32, #tpu.memory_space<vmem>>, vector<1x500x16x96xf32>
    %get3A_4 = vector.shape_cast %get3A_3 : vector<1x500x16x96xf32> to vector<500x16x96xf32>
    %get3A_5 = arith.constant 0 : index
    %get3A_6 = arith.constant 0 : index
    %get3A_7 = arith.constant 0 : index
    %get3A_8 = vector.load %arg3[%get3A_5, %get3A_6, %get3A_7] : memref<3x108x128xf32, #tpu.memory_space<vmem>>, vector<3x108x128xf32>
    %broadcast_in_dim3A = arith.constant 0.000000e+00 : f32
    %broadcast_in_dim3A_9 = vector.broadcast %broadcast_in_dim3A : f32 to vector<500x1x6xf32>
    %slice3A = vector.extract_strided_slice %get3A_4 {offsets = [0, 0, 90], sizes = [500, 15, 6], strides = [1, 1, 1]} : vector<500x16x96xf32> to vector<500x15x6xf32>
    %concatenate3A = tpu.concatenate %broadcast_in_dim3A_9, %slice3A in 1 : vector<500x1x6xf32>, vector<500x15x6xf32> -> vector<500x16x6xf32>
    %slice3A_10 = vector.extract_strided_slice %get3A_4 {offsets = [0, 1, 0], sizes = [500, 15, 6], strides = [1, 1, 1]} : vector<500x16x96xf32> to vector<500x15x6xf32>
    %concatenate3A_11 = tpu.concatenate %slice3A_10, %broadcast_in_dim3A_9 in 1 : vector<500x15x6xf32>, vector<500x1x6xf32> -> vector<500x16x6xf32>
    %concatenate3A_12 = tpu.concatenate %get3A_4, %concatenate3A, %concatenate3A_11 in 2 : vector<500x16x96xf32>, vector<500x16x6xf32>, vector<500x16x6xf32> -> vector<500x16x108xf32>
    %broadcast_in_dim3A_13 = arith.constant 0.000000e+00 : f32
    %broadcast_in_dim3A_14 = vector.broadcast %broadcast_in_dim3A_13 : f32 to vector<1x16x108xf32>
    %concatenate3A_15 = tpu.concatenate %broadcast_in_dim3A_14, %concatenate3A_12, %broadcast_in_dim3A_14 in 0 : vector<1x16x108xf32>, vector<500x16x108xf32>, vector<1x16x108xf32> -> vector<502x16x108xf32>
    %slice3A_16 = vector.extract_strided_slice %concatenate3A_15 {offsets = [0, 0, 0], sizes = [500, 16, 108], strides = [1, 1, 1]} : vector<502x16x108xf32> to vector<500x16x108xf32>
    %reshape3A = vector.shape_cast %slice3A_16 : vector<500x16x108xf32> to vector<8000x108xf32>
    %slice3A_17 = vector.extract_strided_slice %get3A_8 {offsets = [0, 0, 0], sizes = [1, 108, 128], strides = [1, 1, 1]} : vector<3x108x128xf32> to vector<1x108x128xf32>
    %squeeze3A = vector.shape_cast %slice3A_17 : vector<1x108x128xf32> to vector<108x128xf32>
    %dot_general3A = arith.constant dense<0.000000e+00> : vector<8000x128xf32>
    %dot_general3A_18 = tpu.matmul %reshape3A, %squeeze3A, %dot_general3A {dimension_numbers = #tpu.dot_dimension_numbers<[1], [0], [0], [1], [0, 0, 1, 1], [], []>, transpose_lhs_hint = false} : vector<8000x108xf32>, vector<108x128xf32>, vector<8000x128xf32> -> vector<8000x128xf32>
    %slice3A_19 = vector.extract_strided_slice %concatenate3A_15 {offsets = [1, 0, 0], sizes = [500, 16, 108], strides = [1, 1, 1]} : vector<502x16x108xf32> to vector<500x16x108xf32>
    %reshape3A_20 = vector.shape_cast %slice3A_19 : vector<500x16x108xf32> to vector<8000x108xf32>
    %slice3A_21 = vector.extract_strided_slice %get3A_8 {offsets = [1, 0, 0], sizes = [1, 108, 128], strides = [1, 1, 1]} : vector<3x108x128xf32> to vector<1x108x128xf32>
    %squeeze3A_22 = vector.shape_cast %slice3A_21 : vector<1x108x128xf32> to vector<108x128xf32>
    %dot_general3A_23 = arith.constant dense<0.000000e+00> : vector<8000x128xf32>
    %dot_general3A_24 = tpu.matmul %reshape3A_20, %squeeze3A_22, %dot_general3A_23 {dimension_numbers = #tpu.dot_dimension_numbers<[1], [0], [0], [1], [0, 0, 1, 1], [], []>, transpose_lhs_hint = false} : vector<8000x108xf32>, vector<108x128xf32>, vector<8000x128xf32> -> vector<8000x128xf32>
    %add3A = arith.addf %dot_general3A_18, %dot_general3A_24 : vector<8000x128xf32>
    %slice3A_25 = vector.extract_strided_slice %concatenate3A_15 {offsets = [2, 0, 0], sizes = [500, 16, 108], strides = [1, 1, 1]} : vector<502x16x108xf32> to vector<500x16x108xf32>
    %reshape3A_26 = vector.shape_cast %slice3A_25 : vector<500x16x108xf32> to vector<8000x108xf32>
    %slice3A_27 = vector.extract_strided_slice %get3A_8 {offsets = [2, 0, 0], sizes = [1, 108, 128], strides = [1, 1, 1]} : vector<3x108x128xf32> to vector<1x108x128xf32>
    %squeeze3A_28 = vector.shape_cast %slice3A_27 : vector<1x108x128xf32> to vector<108x128xf32>
    %dot_general3A_29 = arith.constant dense<0.000000e+00> : vector<8000x128xf32>
    %dot_general3A_30 = tpu.matmul %reshape3A_26, %squeeze3A_28, %dot_general3A_29 {dimension_numbers = #tpu.dot_dimension_numbers<[1], [0], [0], [1], [0, 0, 1, 1], [], []>, transpose_lhs_hint = false} : vector<8000x108xf32>, vector<108x128xf32>, vector<8000x128xf32> -> vector<8000x128xf32>
    %add3A_31 = arith.addf %add3A, %dot_general3A_30 : vector<8000x128xf32>
    %reshape3A_32 = vector.shape_cast %add3A_31 : vector<8000x128xf32> to vector<500x16x128xf32>
    %slice3A_33 = vector.extract_strided_slice %reshape3A_32 {offsets = [0, 0, 0], sizes = [500, 16, 64], strides = [1, 1, 1]} : vector<500x16x128xf32> to vector<500x16x64xf32>
    %slice3A_34 = vector.extract_strided_slice %reshape3A_32 {offsets = [0, 0, 64], sizes = [500, 16, 64], strides = [1, 1, 1]} : vector<500x16x128xf32> to vector<500x16x64xf32>
    %max3A = arith.maximumf %slice3A_33, %slice3A_34 : vector<500x16x64xf32>
    %reshape3A_35 = vector.shape_cast %max3A : vector<500x16x64xf32> to vector<250x2x16x64xf32>
    %slice3A_36 = vector.extract_strided_slice %reshape3A_35 {offsets = [0, 0, 0, 0], sizes = [250, 1, 16, 64], strides = [1, 1, 1, 1]} : vector<250x2x16x64xf32> to vector<250x1x16x64xf32>
    %squeeze3A_37 = vector.shape_cast %slice3A_36 : vector<250x1x16x64xf32> to vector<250x16x64xf32>
    %slice3A_38 = vector.extract_strided_slice %reshape3A_35 {offsets = [0, 1, 0, 0], sizes = [250, 1, 16, 64], strides = [1, 1, 1, 1]} : vector<250x2x16x64xf32> to vector<250x1x16x64xf32>
    %squeeze3A_39 = vector.shape_cast %slice3A_38 : vector<250x1x16x64xf32> to vector<250x16x64xf32>
    %max3A_40 = arith.maximumf %squeeze3A_37, %squeeze3A_39 : vector<250x16x64xf32>
    %get3A_41 = arith.constant 0 : index
    %get3A_42 = arith.constant 0 : index
    %get3A_43 = vector.load %arg4[%get3A_41, %get3A_42] : memref<1x64xf32, #tpu.memory_space<vmem>>, vector<1x64xf32>
    %broadcast_in_dim3A_44 = vector.shape_cast %get3A_43 : vector<1x64xf32> to vector<1x1x64xf32>
    %add3A_45 = vector.broadcast %broadcast_in_dim3A_44 : vector<1x1x64xf32> to vector<250x16x64xf32>
    %add3A_46 = arith.addf %max3A_40, %add3A_45 : vector<250x16x64xf32>
    %ge3A = arith.constant 0.000000e+00 : f32
    %ge3A_47 = vector.broadcast %ge3A : f32 to vector<250x16x64xf32>
    %ge3A_48 = arith.cmpf oge, %add3A_46, %ge3A_47 : vector<250x16x64xf32>
    %mul3A = arith.constant 0.00999999977 : f32
    %mul3A_49 = vector.broadcast %mul3A : f32 to vector<250x16x64xf32>
    %mul3A_50 = arith.mulf %mul3A_49, %add3A_46 : vector<250x16x64xf32>
    %select_n3A = arith.select %ge3A_48, %add3A_46, %mul3A_50 : vector<250x16x64xi1>, vector<250x16x64xf32>
    %get3A_51 = arith.constant 0 : index
    %get3A_52 = arith.constant 0 : index
    %get3A_53 = arith.constant 0 : index
    %get3A_54 = vector.load %arg5[%get3A_51, %get3A_52, %get3A_53] : memref<3x80x128xf32, #tpu.memory_space<vmem>>, vector<3x80x128xf32>
    %broadcast_in_dim3A_55 = arith.constant 0.000000e+00 : f32
    %broadcast_in_dim3A_56 = vector.broadcast %broadcast_in_dim3A_55 : f32 to vector<250x1x8xf32>
    %slice3A_57 = vector.extract_strided_slice %select_n3A {offsets = [0, 0, 56], sizes = [250, 15, 8], strides = [1, 1, 1]} : vector<250x16x64xf32> to vector<250x15x8xf32>
    %concatenate3A_58 = tpu.concatenate %broadcast_in_dim3A_56, %slice3A_57 in 1 : vector<250x1x8xf32>, vector<250x15x8xf32> -> vector<250x16x8xf32>
    %slice3A_59 = vector.extract_strided_slice %select_n3A {offsets = [0, 1, 0], sizes = [250, 15, 8], strides = [1, 1, 1]} : vector<250x16x64xf32> to vector<250x15x8xf32>
    %concatenate3A_60 = tpu.concatenate %slice3A_59, %broadcast_in_dim3A_56 in 1 : vector<250x15x8xf32>, vector<250x1x8xf32> -> vector<250x16x8xf32>
    %concatenate3A_61 = tpu.concatenate %select_n3A, %concatenate3A_58, %concatenate3A_60 in 2 : vector<250x16x64xf32>, vector<250x16x8xf32>, vector<250x16x8xf32> -> vector<250x16x80xf32>
    %broadcast_in_dim3A_62 = arith.constant 0.000000e+00 : f32
    %broadcast_in_dim3A_63 = vector.broadcast %broadcast_in_dim3A_62 : f32 to vector<1x16x80xf32>
    %concatenate3A_64 = tpu.concatenate %broadcast_in_dim3A_63, %concatenate3A_61, %broadcast_in_dim3A_63 in 0 : vector<1x16x80xf32>, vector<250x16x80xf32>, vector<1x16x80xf32> -> vector<252x16x80xf32>
    %slice3A_65 = vector.extract_strided_slice %concatenate3A_64 {offsets = [0, 0, 0], sizes = [250, 16, 80], strides = [1, 1, 1]} : vector<252x16x80xf32> to vector<250x16x80xf32>
    %reshape3A_66 = vector.shape_cast %slice3A_65 : vector<250x16x80xf32> to vector<4000x80xf32>
    %slice3A_67 = vector.extract_strided_slice %get3A_54 {offsets = [0, 0, 0], sizes = [1, 80, 128], strides = [1, 1, 1]} : vector<3x80x128xf32> to vector<1x80x128xf32>
    %squeeze3A_68 = vector.shape_cast %slice3A_67 : vector<1x80x128xf32> to vector<80x128xf32>
    %dot_general3A_69 = arith.constant dense<0.000000e+00> : vector<4000x128xf32>
    %dot_general3A_70 = tpu.matmul %reshape3A_66, %squeeze3A_68, %dot_general3A_69 {dimension_numbers = #tpu.dot_dimension_numbers<[1], [0], [0], [1], [0, 0, 1, 1], [], []>, transpose_lhs_hint = false} : vector<4000x80xf32>, vector<80x128xf32>, vector<4000x128xf32> -> vector<4000x128xf32>
    %slice3A_71 = vector.extract_strided_slice %concatenate3A_64 {offsets = [1, 0, 0], sizes = [250, 16, 80], strides = [1, 1, 1]} : vector<252x16x80xf32> to vector<250x16x80xf32>
    %reshape3A_72 = vector.shape_cast %slice3A_71 : vector<250x16x80xf32> to vector<4000x80xf32>
    %slice3A_73 = vector.extract_strided_slice %get3A_54 {offsets = [1, 0, 0], sizes = [1, 80, 128], strides = [1, 1, 1]} : vector<3x80x128xf32> to vector<1x80x128xf32>
    %squeeze3A_74 = vector.shape_cast %slice3A_73 : vector<1x80x128xf32> to vector<80x128xf32>
    %dot_general3A_75 = arith.constant dense<0.000000e+00> : vector<4000x128xf32>
    %dot_general3A_76 = tpu.matmul %reshape3A_72, %squeeze3A_74, %dot_general3A_75 {dimension_numbers = #tpu.dot_dimension_numbers<[1], [0], [0], [1], [0, 0, 1, 1], [], []>, transpose_lhs_hint = false} : vector<4000x80xf32>, vector<80x128xf32>, vector<4000x128xf32> -> vector<4000x128xf32>
    %add3A_77 = arith.addf %dot_general3A_70, %dot_general3A_76 : vector<4000x128xf32>
    %slice3A_78 = vector.extract_strided_slice %concatenate3A_64 {offsets = [2, 0, 0], sizes = [250, 16, 80], strides = [1, 1, 1]} : vector<252x16x80xf32> to vector<250x16x80xf32>
    %reshape3A_79 = vector.shape_cast %slice3A_78 : vector<250x16x80xf32> to vector<4000x80xf32>
    %slice3A_80 = vector.extract_strided_slice %get3A_54 {offsets = [2, 0, 0], sizes = [1, 80, 128], strides = [1, 1, 1]} : vector<3x80x128xf32> to vector<1x80x128xf32>
    %squeeze3A_81 = vector.shape_cast %slice3A_80 : vector<1x80x128xf32> to vector<80x128xf32>
    %dot_general3A_82 = arith.constant dense<0.000000e+00> : vector<4000x128xf32>
    %dot_general3A_83 = tpu.matmul %reshape3A_79, %squeeze3A_81, %dot_general3A_82 {dimension_numbers = #tpu.dot_dimension_numbers<[1], [0], [0], [1], [0, 0, 1, 1], [], []>, transpose_lhs_hint = false} : vector<4000x80xf32>, vector<80x128xf32>, vector<4000x128xf32> -> vector<4000x128xf32>
    %add3A_84 = arith.addf %add3A_77, %dot_general3A_83 : vector<4000x128xf32>
    %reshape3A_85 = vector.shape_cast %add3A_84 : vector<4000x128xf32> to vector<250x16x128xf32>
    %slice3A_86 = vector.extract_strided_slice %reshape3A_85 {offsets = [0, 0, 0], sizes = [250, 16, 64], strides = [1, 1, 1]} : vector<250x16x128xf32> to vector<250x16x64xf32>
    %slice3A_87 = vector.extract_strided_slice %reshape3A_85 {offsets = [0, 0, 64], sizes = [250, 16, 64], strides = [1, 1, 1]} : vector<250x16x128xf32> to vector<250x16x64xf32>
    %max3A_88 = arith.maximumf %slice3A_86, %slice3A_87 : vector<250x16x64xf32>
    %reshape3A_89 = vector.shape_cast %max3A_88 : vector<250x16x64xf32> to vector<50x5x16x64xf32>
    %slice3A_90 = vector.extract_strided_slice %reshape3A_89 {offsets = [0, 0, 0, 0], sizes = [50, 1, 16, 64], strides = [1, 1, 1, 1]} : vector<50x5x16x64xf32> to vector<50x1x16x64xf32>
    %squeeze3A_91 = vector.shape_cast %slice3A_90 : vector<50x1x16x64xf32> to vector<50x16x64xf32>
    %slice3A_92 = vector.extract_strided_slice %reshape3A_89 {offsets = [0, 1, 0, 0], sizes = [50, 1, 16, 64], strides = [1, 1, 1, 1]} : vector<50x5x16x64xf32> to vector<50x1x16x64xf32>
    %squeeze3A_93 = vector.shape_cast %slice3A_92 : vector<50x1x16x64xf32> to vector<50x16x64xf32>
    %max3A_94 = arith.maximumf %squeeze3A_91, %squeeze3A_93 : vector<50x16x64xf32>
    %slice3A_95 = vector.extract_strided_slice %reshape3A_89 {offsets = [0, 2, 0, 0], sizes = [50, 1, 16, 64], strides = [1, 1, 1, 1]} : vector<50x5x16x64xf32> to vector<50x1x16x64xf32>
    %squeeze3A_96 = vector.shape_cast %slice3A_95 : vector<50x1x16x64xf32> to vector<50x16x64xf32>
    %max3A_97 = arith.maximumf %max3A_94, %squeeze3A_96 : vector<50x16x64xf32>
    %slice3A_98 = vector.extract_strided_slice %reshape3A_89 {offsets = [0, 3, 0, 0], sizes = [50, 1, 16, 64], strides = [1, 1, 1, 1]} : vector<50x5x16x64xf32> to vector<50x1x16x64xf32>
    %squeeze3A_99 = vector.shape_cast %slice3A_98 : vector<50x1x16x64xf32> to vector<50x16x64xf32>
    %max3A_100 = arith.maximumf %max3A_97, %squeeze3A_99 : vector<50x16x64xf32>
    %slice3A_101 = vector.extract_strided_slice %reshape3A_89 {offsets = [0, 4, 0, 0], sizes = [50, 1, 16, 64], strides = [1, 1, 1, 1]} : vector<50x5x16x64xf32> to vector<50x1x16x64xf32>
    %squeeze3A_102 = vector.shape_cast %slice3A_101 : vector<50x1x16x64xf32> to vector<50x16x64xf32>
    %max3A_103 = arith.maximumf %max3A_100, %squeeze3A_102 : vector<50x16x64xf32>
    %get3A_104 = arith.constant 0 : index
    %get3A_105 = arith.constant 0 : index
    %get3A_106 = vector.load %arg6[%get3A_104, %get3A_105] : memref<1x64xf32, #tpu.memory_space<vmem>>, vector<1x64xf32>
    %broadcast_in_dim3A_107 = vector.shape_cast %get3A_106 : vector<1x64xf32> to vector<1x1x64xf32>
    %add3A_108 = vector.broadcast %broadcast_in_dim3A_107 : vector<1x1x64xf32> to vector<50x16x64xf32>
    %add3A_109 = arith.addf %max3A_103, %add3A_108 : vector<50x16x64xf32>
    %ge3A_110 = arith.constant 0.000000e+00 : f32
    %ge3A_111 = vector.broadcast %ge3A_110 : f32 to vector<50x16x64xf32>
    %ge3A_112 = arith.cmpf oge, %add3A_109, %ge3A_111 : vector<50x16x64xf32>
    %mul3A_113 = arith.constant 0.00999999977 : f32
    %mul3A_114 = vector.broadcast %mul3A_113 : f32 to vector<50x16x64xf32>
    %mul3A_115 = arith.mulf %mul3A_114, %add3A_109 : vector<50x16x64xf32>
    %select_n3A_116 = arith.select %ge3A_112, %add3A_109, %mul3A_115 : vector<50x16x64xi1>, vector<50x16x64xf32>
    %get3A_117 = arith.constant 0 : index
    %get3A_118 = arith.constant 0 : index
    %get3A_119 = arith.constant 0 : index
    %get3A_120 = vector.load %arg7[%get3A_117, %get3A_118, %get3A_119] : memref<3x96x128xf32, #tpu.memory_space<vmem>>, vector<3x96x128xf32>
    %broadcast_in_dim3A_121 = arith.constant 0.000000e+00 : f32
    %broadcast_in_dim3A_122 = vector.broadcast %broadcast_in_dim3A_121 : f32 to vector<50x1x16xf32>
    %slice3A_123 = vector.extract_strided_slice %select_n3A_116 {offsets = [0, 0, 48], sizes = [50, 15, 16], strides = [1, 1, 1]} : vector<50x16x64xf32> to vector<50x15x16xf32>
    %concatenate3A_124 = tpu.concatenate %broadcast_in_dim3A_122, %slice3A_123 in 1 : vector<50x1x16xf32>, vector<50x15x16xf32> -> vector<50x16x16xf32>
    %slice3A_125 = vector.extract_strided_slice %select_n3A_116 {offsets = [0, 1, 0], sizes = [50, 15, 16], strides = [1, 1, 1]} : vector<50x16x64xf32> to vector<50x15x16xf32>
    %concatenate3A_126 = tpu.concatenate %slice3A_125, %broadcast_in_dim3A_122 in 1 : vector<50x15x16xf32>, vector<50x1x16xf32> -> vector<50x16x16xf32>
    %concatenate3A_127 = tpu.concatenate %select_n3A_116, %concatenate3A_124, %concatenate3A_126 in 2 : vector<50x16x64xf32>, vector<50x16x16xf32>, vector<50x16x16xf32> -> vector<50x16x96xf32>
    %broadcast_in_dim3A_128 = arith.constant 0.000000e+00 : f32
    %broadcast_in_dim3A_129 = vector.broadcast %broadcast_in_dim3A_128 : f32 to vector<1x16x96xf32>
    %concatenate3A_130 = tpu.concatenate %broadcast_in_dim3A_129, %concatenate3A_127, %broadcast_in_dim3A_129 in 0 : vector<1x16x96xf32>, vector<50x16x96xf32>, vector<1x16x96xf32> -> vector<52x16x96xf32>
    %slice3A_131 = vector.extract_strided_slice %concatenate3A_130 {offsets = [0, 0, 0], sizes = [50, 16, 96], strides = [1, 1, 1]} : vector<52x16x96xf32> to vector<50x16x96xf32>
    %reshape3A_132 = vector.shape_cast %slice3A_131 : vector<50x16x96xf32> to vector<800x96xf32>
    %slice3A_133 = vector.extract_strided_slice %get3A_120 {offsets = [0, 0, 0], sizes = [1, 96, 128], strides = [1, 1, 1]} : vector<3x96x128xf32> to vector<1x96x128xf32>
    %squeeze3A_134 = vector.shape_cast %slice3A_133 : vector<1x96x128xf32> to vector<96x128xf32>
    %dot_general3A_135 = arith.constant dense<0.000000e+00> : vector<800x128xf32>
    %dot_general3A_136 = tpu.matmul %reshape3A_132, %squeeze3A_134, %dot_general3A_135 {dimension_numbers = #tpu.dot_dimension_numbers<[1], [0], [0], [1], [0, 0, 1, 1], [], []>, transpose_lhs_hint = false} : vector<800x96xf32>, vector<96x128xf32>, vector<800x128xf32> -> vector<800x128xf32>
    %slice3A_137 = vector.extract_strided_slice %concatenate3A_130 {offsets = [1, 0, 0], sizes = [50, 16, 96], strides = [1, 1, 1]} : vector<52x16x96xf32> to vector<50x16x96xf32>
    %reshape3A_138 = vector.shape_cast %slice3A_137 : vector<50x16x96xf32> to vector<800x96xf32>
    %slice3A_139 = vector.extract_strided_slice %get3A_120 {offsets = [1, 0, 0], sizes = [1, 96, 128], strides = [1, 1, 1]} : vector<3x96x128xf32> to vector<1x96x128xf32>
    %squeeze3A_140 = vector.shape_cast %slice3A_139 : vector<1x96x128xf32> to vector<96x128xf32>
    %dot_general3A_141 = arith.constant dense<0.000000e+00> : vector<800x128xf32>
    %dot_general3A_142 = tpu.matmul %reshape3A_138, %squeeze3A_140, %dot_general3A_141 {dimension_numbers = #tpu.dot_dimension_numbers<[1], [0], [0], [1], [0, 0, 1, 1], [], []>, transpose_lhs_hint = false} : vector<800x96xf32>, vector<96x128xf32>, vector<800x128xf32> -> vector<800x128xf32>
    %add3A_143 = arith.addf %dot_general3A_136, %dot_general3A_142 : vector<800x128xf32>
    %slice3A_144 = vector.extract_strided_slice %concatenate3A_130 {offsets = [2, 0, 0], sizes = [50, 16, 96], strides = [1, 1, 1]} : vector<52x16x96xf32> to vector<50x16x96xf32>
    %reshape3A_145 = vector.shape_cast %slice3A_144 : vector<50x16x96xf32> to vector<800x96xf32>
    %slice3A_146 = vector.extract_strided_slice %get3A_120 {offsets = [2, 0, 0], sizes = [1, 96, 128], strides = [1, 1, 1]} : vector<3x96x128xf32> to vector<1x96x128xf32>
    %squeeze3A_147 = vector.shape_cast %slice3A_146 : vector<1x96x128xf32> to vector<96x128xf32>
    %dot_general3A_148 = arith.constant dense<0.000000e+00> : vector<800x128xf32>
    %dot_general3A_149 = tpu.matmul %reshape3A_145, %squeeze3A_147, %dot_general3A_148 {dimension_numbers = #tpu.dot_dimension_numbers<[1], [0], [0], [1], [0, 0, 1, 1], [], []>, transpose_lhs_hint = false} : vector<800x96xf32>, vector<96x128xf32>, vector<800x128xf32> -> vector<800x128xf32>
    %add3A_150 = arith.addf %add3A_143, %dot_general3A_149 : vector<800x128xf32>
    %reshape3A_151 = vector.shape_cast %add3A_150 : vector<800x128xf32> to vector<50x16x128xf32>
    %slice3A_152 = vector.extract_strided_slice %reshape3A_151 {offsets = [0, 0, 0], sizes = [50, 16, 64], strides = [1, 1, 1]} : vector<50x16x128xf32> to vector<50x16x64xf32>
    %slice3A_153 = vector.extract_strided_slice %reshape3A_151 {offsets = [0, 0, 64], sizes = [50, 16, 64], strides = [1, 1, 1]} : vector<50x16x128xf32> to vector<50x16x64xf32>
    %max3A_154 = arith.maximumf %slice3A_152, %slice3A_153 : vector<50x16x64xf32>
    %reshape3A_155 = vector.shape_cast %max3A_154 : vector<50x16x64xf32> to vector<10x5x16x64xf32>
    %slice3A_156 = vector.extract_strided_slice %reshape3A_155 {offsets = [0, 0, 0, 0], sizes = [10, 1, 16, 64], strides = [1, 1, 1, 1]} : vector<10x5x16x64xf32> to vector<10x1x16x64xf32>
    %squeeze3A_157 = vector.shape_cast %slice3A_156 : vector<10x1x16x64xf32> to vector<10x16x64xf32>
    %slice3A_158 = vector.extract_strided_slice %reshape3A_155 {offsets = [0, 1, 0, 0], sizes = [10, 1, 16, 64], strides = [1, 1, 1, 1]} : vector<10x5x16x64xf32> to vector<10x1x16x64xf32>
    %squeeze3A_159 = vector.shape_cast %slice3A_158 : vector<10x1x16x64xf32> to vector<10x16x64xf32>
    %max3A_160 = arith.maximumf %squeeze3A_157, %squeeze3A_159 : vector<10x16x64xf32>
    %slice3A_161 = vector.extract_strided_slice %reshape3A_155 {offsets = [0, 2, 0, 0], sizes = [10, 1, 16, 64], strides = [1, 1, 1, 1]} : vector<10x5x16x64xf32> to vector<10x1x16x64xf32>
    %squeeze3A_162 = vector.shape_cast %slice3A_161 : vector<10x1x16x64xf32> to vector<10x16x64xf32>
    %max3A_163 = arith.maximumf %max3A_160, %squeeze3A_162 : vector<10x16x64xf32>
    %slice3A_164 = vector.extract_strided_slice %reshape3A_155 {offsets = [0, 3, 0, 0], sizes = [10, 1, 16, 64], strides = [1, 1, 1, 1]} : vector<10x5x16x64xf32> to vector<10x1x16x64xf32>
    %squeeze3A_165 = vector.shape_cast %slice3A_164 : vector<10x1x16x64xf32> to vector<10x16x64xf32>
    %max3A_166 = arith.maximumf %max3A_163, %squeeze3A_165 : vector<10x16x64xf32>
    %slice3A_167 = vector.extract_strided_slice %reshape3A_155 {offsets = [0, 4, 0, 0], sizes = [10, 1, 16, 64], strides = [1, 1, 1, 1]} : vector<10x5x16x64xf32> to vector<10x1x16x64xf32>
    %squeeze3A_168 = vector.shape_cast %slice3A_167 : vector<10x1x16x64xf32> to vector<10x16x64xf32>
    %max3A_169 = arith.maximumf %max3A_166, %squeeze3A_168 : vector<10x16x64xf32>
    %get3A_170 = arith.constant 0 : index
    %get3A_171 = arith.constant 0 : index
    %get3A_172 = vector.load %arg8[%get3A_170, %get3A_171] : memref<1x64xf32, #tpu.memory_space<vmem>>, vector<1x64xf32>
    %broadcast_in_dim3A_173 = vector.shape_cast %get3A_172 : vector<1x64xf32> to vector<1x1x64xf32>
    %add3A_174 = vector.broadcast %broadcast_in_dim3A_173 : vector<1x1x64xf32> to vector<10x16x64xf32>
    %add3A_175 = arith.addf %max3A_169, %add3A_174 : vector<10x16x64xf32>
    %ge3A_176 = arith.constant 0.000000e+00 : f32
    %ge3A_177 = vector.broadcast %ge3A_176 : f32 to vector<10x16x64xf32>
    %ge3A_178 = arith.cmpf oge, %add3A_175, %ge3A_177 : vector<10x16x64xf32>
    %mul3A_179 = arith.constant 0.00999999977 : f32
    %mul3A_180 = vector.broadcast %mul3A_179 : f32 to vector<10x16x64xf32>
    %mul3A_181 = arith.mulf %mul3A_180, %add3A_175 : vector<10x16x64xf32>
    %select_n3A_182 = arith.select %ge3A_178, %add3A_175, %mul3A_181 : vector<10x16x64xi1>, vector<10x16x64xf32>
    %slice3A_183 = vector.extract_strided_slice %select_n3A_182 {offsets = [0, 0, 0], sizes = [10, 14, 64], strides = [1, 1, 1]} : vector<10x16x64xf32> to vector<10x14x64xf32>
    %slice3A_184 = vector.extract_strided_slice %select_n3A_182 {offsets = [0, 1, 0], sizes = [10, 14, 64], strides = [1, 1, 1]} : vector<10x16x64xf32> to vector<10x14x64xf32>
    %slice3A_185 = vector.extract_strided_slice %select_n3A_182 {offsets = [0, 2, 0], sizes = [10, 14, 64], strides = [1, 1, 1]} : vector<10x16x64xf32> to vector<10x14x64xf32>
    %concatenate3A_186 = tpu.concatenate %slice3A_183, %slice3A_184, %slice3A_185 in 2 : vector<10x14x64xf32>, vector<10x14x64xf32>, vector<10x14x64xf32> -> vector<10x14x192xf32>
    %reshape3A_187 = vector.shape_cast %concatenate3A_186 : vector<10x14x192xf32> to vector<140x192xf32>
    %get3A_188 = arith.constant 0 : index
    %get3A_189 = arith.constant 0 : index
    %get3A_190 = vector.load %arg9[%get3A_188, %get3A_189] : memref<192x4xf32, #tpu.memory_space<vmem>>, vector<192x4xf32>
    %dot_general3A_191 = arith.constant dense<0.000000e+00> : vector<140x4xf32>
    %dot_general3A_192 = tpu.matmul %reshape3A_187, %get3A_190, %dot_general3A_191 {dimension_numbers = #tpu.dot_dimension_numbers<[1], [0], [0], [1], [0, 0, 1, 1], [], []>, transpose_lhs_hint = false} : vector<140x192xf32>, vector<192x4xf32>, vector<140x4xf32> -> vector<140x4xf32>
    %reshape3A_193 = vector.shape_cast %dot_general3A_192 : vector<140x4xf32> to vector<10x14x4xf32>
    %get3A_194 = arith.constant 0 : index
    %get3A_195 = arith.constant 0 : index
    %get3A_196 = vector.load %arg10[%get3A_194, %get3A_195] : memref<1x4xf32, #tpu.memory_space<vmem>>, vector<1x4xf32>
    %broadcast_in_dim3A_197 = vector.shape_cast %get3A_196 : vector<1x4xf32> to vector<1x1x4xf32>
    %add3A_198 = vector.broadcast %broadcast_in_dim3A_197 : vector<1x1x4xf32> to vector<10x14x4xf32>
    %add3A_199 = arith.addf %reshape3A_193, %add3A_198 : vector<10x14x4xf32>
    %slice3A_200 = vector.extract_strided_slice %add3A_199 {offsets = [0, 0, 0], sizes = [10, 14, 2], strides = [1, 1, 1]} : vector<10x14x4xf32> to vector<10x14x2xf32>
    %slice3A_201 = vector.extract_strided_slice %add3A_199 {offsets = [0, 0, 2], sizes = [10, 14, 2], strides = [1, 1, 1]} : vector<10x14x4xf32> to vector<10x14x2xf32>
    %get3A_202 = arith.constant 0 : index
    %get3A_203 = arith.constant 0 : index
    %get3A_204 = arith.constant 0 : index
    %get3A_205 = arith.constant 0 : index
    %get3A_206 = vector.load %arg2[%get3A_202, %get3A_203, %get3A_204, %get3A_205] : memref<1x10x14x2xf32, #tpu.memory_space<vmem>>, vector<1x10x14x2xf32>
    %get3A_207 = vector.shape_cast %get3A_206 : vector<1x10x14x2xf32> to vector<10x14x2xf32>
    %mul3A_208 = arith.constant 5.000000e-01 : f32
    %mul3A_209 = vector.broadcast %mul3A_208 : f32 to vector<10x14x2xf32>
    %mul3A_210 = arith.mulf %mul3A_209, %slice3A_201 : vector<10x14x2xf32>
    %exp3A = math.exp %mul3A_210 : vector<10x14x2xf32>
    %mul3A_211 = arith.mulf %get3A_207, %exp3A : vector<10x14x2xf32>
    %add3A_212 = arith.addf %slice3A_200, %mul3A_211 : vector<10x14x2xf32>
    %swap3A = arith.constant 0 : index
    %swap3A_213 = arith.constant 0 : index
    %swap3A_214 = arith.constant 0 : index
    %swap3A_215 = arith.constant 0 : index
    %swap3A_216 = vector.load %arg26[%swap3A, %swap3A_213, %swap3A_214, %swap3A_215] : memref<1x10x14x2xf32, #tpu.memory_space<vmem>>, vector<1x10x14x2xf32>
    %swap3A_217 = vector.shape_cast %swap3A_216 : vector<1x10x14x2xf32> to vector<10x14x2xf32>
    %swap3A_218 = vector.shape_cast %slice3A_200 : vector<10x14x2xf32> to vector<1x10x14x2xf32>
    tpu.vector_store %arg26[%swap3A, %swap3A_213, %swap3A_214, %swap3A_215], %swap3A_218 {strides = array<i32>} : memref<1x10x14x2xf32, #tpu.memory_space<vmem>>, vector<1x10x14x2xf32>,
    %swap3A_219 = arith.constant 0 : index
    %swap3A_220 = arith.constant 0 : index
    %swap3A_221 = arith.constant 0 : index
    %swap3A_222 = arith.constant 0 : index
    %swap3A_223 = vector.load %arg27[%swap3A_219, %swap3A_220, %swap3A_221, %swap3A_222] : memref<1x10x14x2xf32, #tpu.memory_space<vmem>>, vector<1x10x14x2xf32>
    %swap3A_224 = vector.shape_cast %swap3A_223 : vector<1x10x14x2xf32> to vector<10x14x2xf32>
    %swap3A_225 = vector.shape_cast %slice3A_201 : vector<10x14x2xf32> to vector<1x10x14x2xf32>
    tpu.vector_store %arg27[%swap3A_219, %swap3A_220, %swap3A_221, %swap3A_222], %swap3A_225 {strides = array<i32>} : memref<1x10x14x2xf32, #tpu.memory_space<vmem>>, vector<1x10x14x2xf32>,
    %swap3A_226 = arith.constant 0 : index
    %swap3A_227 = arith.constant 0 : index
    %swap3A_228 = arith.constant 0 : index
    %swap3A_229 = arith.constant 0 : index
    %swap3A_230 = vector.load %arg28[%swap3A_226, %swap3A_227, %swap3A_228, %swap3A_229] : memref<1x10x14x2xf32, #tpu.memory_space<vmem>>, vector<1x10x14x2xf32>
    %swap3A_231 = vector.shape_cast %swap3A_230 : vector<1x10x14x2xf32> to vector<10x14x2xf32>
    %swap3A_232 = vector.shape_cast %add3A_212 : vector<10x14x2xf32> to vector<1x10x14x2xf32>
    tpu.vector_store %arg28[%swap3A_226, %swap3A_227, %swap3A_228, %swap3A_229], %swap3A_232 {strides = array<i32>} : memref<1x10x14x2xf32, #tpu.memory_space<vmem>>, vector<1x10x14x2xf32>,
    %convert_element_type3A = arith.truncf %add3A_212 : vector<10x14x2xf32> to vector<10x14x2xbf16>
    %broadcast_in_dim3A_233 = arith.constant 0.000000e+00 : bf16
    %broadcast_in_dim3A_234 = vector.broadcast %broadcast_in_dim3A_233 : bf16 to vector<10x2x2xbf16>
    %concatenate3A_235 = tpu.concatenate %broadcast_in_dim3A_234, %convert_element_type3A, %broadcast_in_dim3A_234 in 1 : vector<10x2x2xbf16>, vector<10x14x2xbf16>, vector<10x2x2xbf16> -> vector<10x18x2xbf16>
    %slice3A_236 = vector.extract_strided_slice %concatenate3A_235 {offsets = [0, 0, 0], sizes = [10, 16, 2], strides = [1, 1, 1]} : vector<10x18x2xbf16> to vector<10x16x2xbf16>
    %slice3A_237 = vector.extract_strided_slice %concatenate3A_235 {offsets = [0, 1, 0], sizes = [10, 16, 2], strides = [1, 1, 1]} : vector<10x18x2xbf16> to vector<10x16x2xbf16>
    %slice3A_238 = vector.extract_strided_slice %concatenate3A_235 {offsets = [0, 2, 0], sizes = [10, 16, 2], strides = [1, 1, 1]} : vector<10x18x2xbf16> to vector<10x16x2xbf16>
    %concatenate3A_239 = tpu.concatenate %slice3A_236, %slice3A_237, %slice3A_238 in 2 : vector<10x16x2xbf16>, vector<10x16x2xbf16>, vector<10x16x2xbf16> -> vector<10x16x6xbf16>
    %reshape3A_240 = vector.shape_cast %concatenate3A_239 : vector<10x16x6xbf16> to vector<160x6xbf16>
    %get3A_241 = arith.constant 0 : index
    %get3A_242 = arith.constant 0 : index
    %get3A_243 = vector.load %arg11[%get3A_241, %get3A_242] : memref<6x64xbf16, #tpu.memory_space<vmem>>, vector<6x64xbf16>
    %dot_general3A_244 = arith.constant dense<0.000000e+00> : vector<160x64xf32>
    %dot_general3A_245 = tpu.matmul %reshape3A_240, %get3A_243, %dot_general3A_244 {dimension_numbers = #tpu.dot_dimension_numbers<[1], [0], [0], [1], [0, 0, 1, 1], [], []>, transpose_lhs_hint = false} : vector<160x6xbf16>, vector<6x64xbf16>, vector<160x64xf32> -> vector<160x64xf32>
    %reshape3A_246 = vector.shape_cast %dot_general3A_245 : vector<160x64xf32> to vector<10x16x64xf32>
    %get3A_247 = arith.constant 0 : index
    %get3A_248 = arith.constant 0 : index
    %get3A_249 = vector.load %arg12[%get3A_247, %get3A_248] : memref<1x64xf32, #tpu.memory_space<vmem>>, vector<1x64xf32>
    %broadcast_in_dim3A_250 = vector.shape_cast %get3A_249 : vector<1x64xf32> to vector<1x1x64xf32>
    %add3A_251 = vector.broadcast %broadcast_in_dim3A_250 : vector<1x1x64xf32> to vector<10x16x64xf32>
    %add3A_252 = arith.addf %reshape3A_246, %add3A_251 : vector<10x16x64xf32>
    %ge3A_253 = arith.constant 0.000000e+00 : f32
    %ge3A_254 = vector.broadcast %ge3A_253 : f32 to vector<10x16x64xf32>
    %ge3A_255 = arith.cmpf oge, %add3A_252, %ge3A_254 : vector<10x16x64xf32>
    %mul3A_256 = arith.constant 0.00999999977 : f32
    %mul3A_257 = vector.broadcast %mul3A_256 : f32 to vector<10x16x64xf32>
    %mul3A_258 = arith.mulf %mul3A_257, %add3A_252 : vector<10x16x64xf32>
    %select_n3A_259 = arith.select %ge3A_255, %add3A_252, %mul3A_258 : vector<10x16x64xi1>, vector<10x16x64xf32>
    %convert_element_type3A_260 = arith.truncf %select_n3A_259 : vector<10x16x64xf32> to vector<10x16x64xbf16>
    %get3A_261 = arith.constant 0 : index
    %get3A_262 = arith.constant 0 : index
    %get3A_263 = arith.constant 0 : index
    %get3A_264 = vector.load %arg13[%get3A_261, %get3A_262, %get3A_263] : memref<5x64x128xbf16, #tpu.memory_space<vmem>>, vector<5x64x128xbf16>
    %get3A_265 = arith.constant 0 : index
    %get3A_266 = arith.constant 0 : index
    %get3A_267 = vector.load %arg14[%get3A_265, %get3A_266] : memref<1x128xf32, #tpu.memory_space<vmem>>, vector<1x128xf32>
    %reshape3A_268 = vector.shape_cast %convert_element_type3A_260 : vector<10x16x64xbf16> to vector<160x64xbf16>
    %slice3A_269 = vector.extract_strided_slice %get3A_264 {offsets = [0, 0, 0], sizes = [1, 64, 128], strides = [1, 1, 1]} : vector<5x64x128xbf16> to vector<1x64x128xbf16>
    %squeeze3A_270 = vector.shape_cast %slice3A_269 : vector<1x64x128xbf16> to vector<64x128xbf16>
    %dot_general3A_271 = arith.constant dense<0.000000e+00> : vector<160x128xf32>
    %dot_general3A_272 = tpu.matmul %reshape3A_268, %squeeze3A_270, %dot_general3A_271 {dimension_numbers = #tpu.dot_dimension_numbers<[1], [0], [0], [1], [0, 0, 1, 1], [], []>, transpose_lhs_hint = false} : vector<160x64xbf16>, vector<64x128xbf16>, vector<160x128xf32> -> vector<160x128xf32>
    %reshape3A_273 = vector.shape_cast %dot_general3A_272 : vector<160x128xf32> to vector<10x16x128xf32>
    %broadcast_in_dim3A_274 = vector.shape_cast %get3A_267 : vector<1x128xf32> to vector<1x1x128xf32>
    %add3A_275 = vector.broadcast %broadcast_in_dim3A_274 : vector<1x1x128xf32> to vector<10x16x128xf32>
    %add3A_276 = arith.addf %reshape3A_273, %add3A_275 : vector<10x16x128xf32>
    %ge3A_277 = arith.constant 0.000000e+00 : f32
    %ge3A_278 = vector.broadcast %ge3A_277 : f32 to vector<10x16x128xf32>
    %ge3A_279 = arith.cmpf oge, %add3A_276, %ge3A_278 : vector<10x16x128xf32>
    %mul3A_280 = arith.constant 0.00999999977 : f32
    %mul3A_281 = vector.broadcast %mul3A_280 : f32 to vector<10x16x128xf32>
    %mul3A_282 = arith.mulf %mul3A_281, %add3A_276 : vector<10x16x128xf32>
    %select_n3A_283 = arith.select %ge3A_279, %add3A_276, %mul3A_282 : vector<10x16x128xi1>, vector<10x16x128xf32>
    %convert_element_type3A_284 = arith.truncf %select_n3A_283 : vector<10x16x128xf32> to vector<10x16x128xbf16>
    %broadcast_in_dim3A_285 = vector.shape_cast %convert_element_type3A_284 : vector<10x16x128xbf16> to vector<10x1x16x128xbf16>
    %slice3A_286 = vector.extract_strided_slice %get3A_264 {offsets = [1, 0, 0], sizes = [1, 64, 128], strides = [1, 1, 1]} : vector<5x64x128xbf16> to vector<1x64x128xbf16>
    %squeeze3A_287 = vector.shape_cast %slice3A_286 : vector<1x64x128xbf16> to vector<64x128xbf16>
    %dot_general3A_288 = arith.constant dense<0.000000e+00> : vector<160x128xf32>
    %dot_general3A_289 = tpu.matmul %reshape3A_268, %squeeze3A_287, %dot_general3A_288 {dimension_numbers = #tpu.dot_dimension_numbers<[1], [0], [0], [1], [0, 0, 1, 1], [], []>, transpose_lhs_hint = false} : vector<160x64xbf16>, vector<64x128xbf16>, vector<160x128xf32> -> vector<160x128xf32>
    %reshape3A_290 = vector.shape_cast %dot_general3A_289 : vector<160x128xf32> to vector<10x16x128xf32>
    %broadcast_in_dim3A_291 = vector.shape_cast %get3A_267 : vector<1x128xf32> to vector<1x1x128xf32>
    %add3A_292 = vector.broadcast %broadcast_in_dim3A_291 : vector<1x1x128xf32> to vector<10x16x128xf32>
    %add3A_293 = arith.addf %reshape3A_290, %add3A_292 : vector<10x16x128xf32>
    %ge3A_294 = arith.constant 0.000000e+00 : f32
    %ge3A_295 = vector.broadcast %ge3A_294 : f32 to vector<10x16x128xf32>
    %ge3A_296 = arith.cmpf oge, %add3A_293, %ge3A_295 : vector<10x16x128xf32>
    %mul3A_297 = arith.constant 0.00999999977 : f32
    %mul3A_298 = vector.broadcast %mul3A_297 : f32 to vector<10x16x128xf32>
    %mul3A_299 = arith.mulf %mul3A_298, %add3A_293 : vector<10x16x128xf32>
    %select_n3A_300 = arith.select %ge3A_296, %add3A_293, %mul3A_299 : vector<10x16x128xi1>, vector<10x16x128xf32>
    %convert_element_type3A_301 = arith.truncf %select_n3A_300 : vector<10x16x128xf32> to vector<10x16x128xbf16>
    %broadcast_in_dim3A_302 = vector.shape_cast %convert_element_type3A_301 : vector<10x16x128xbf16> to vector<10x1x16x128xbf16>
    %slice3A_303 = vector.extract_strided_slice %get3A_264 {offsets = [2, 0, 0], sizes = [1, 64, 128], strides = [1, 1, 1]} : vector<5x64x128xbf16> to vector<1x64x128xbf16>
    %squeeze3A_304 = vector.shape_cast %slice3A_303 : vector<1x64x128xbf16> to vector<64x128xbf16>
    %dot_general3A_305 = arith.constant dense<0.000000e+00> : vector<160x128xf32>
    %dot_general3A_306 = tpu.matmul %reshape3A_268, %squeeze3A_304, %dot_general3A_305 {dimension_numbers = #tpu.dot_dimension_numbers<[1], [0], [0], [1], [0, 0, 1, 1], [], []>, transpose_lhs_hint = false} : vector<160x64xbf16>, vector<64x128xbf16>, vector<160x128xf32> -> vector<160x128xf32>
    %reshape3A_307 = vector.shape_cast %dot_general3A_306 : vector<160x128xf32> to vector<10x16x128xf32>
    %broadcast_in_dim3A_308 = vector.shape_cast %get3A_267 : vector<1x128xf32> to vector<1x1x128xf32>
    %add3A_309 = vector.broadcast %broadcast_in_dim3A_308 : vector<1x1x128xf32> to vector<10x16x128xf32>
    %add3A_310 = arith.addf %reshape3A_307, %add3A_309 : vector<10x16x128xf32>
    %ge3A_311 = arith.constant 0.000000e+00 : f32
    %ge3A_312 = vector.broadcast %ge3A_311 : f32 to vector<10x16x128xf32>
    %ge3A_313 = arith.cmpf oge, %add3A_310, %ge3A_312 : vector<10x16x128xf32>
    %mul3A_314 = arith.constant 0.00999999977 : f32
    %mul3A_315 = vector.broadcast %mul3A_314 : f32 to vector<10x16x128xf32>
    %mul3A_316 = arith.mulf %mul3A_315, %add3A_310 : vector<10x16x128xf32>
    %select_n3A_317 = arith.select %ge3A_313, %add3A_310, %mul3A_316 : vector<10x16x128xi1>, vector<10x16x128xf32>
    %convert_element_type3A_318 = arith.truncf %select_n3A_317 : vector<10x16x128xf32> to vector<10x16x128xbf16>
    %broadcast_in_dim3A_319 = vector.shape_cast %convert_element_type3A_318 : vector<10x16x128xbf16> to vector<10x1x16x128xbf16>
    %slice3A_320 = vector.extract_strided_slice %get3A_264 {offsets = [3, 0, 0], sizes = [1, 64, 128], strides = [1, 1, 1]} : vector<5x64x128xbf16> to vector<1x64x128xbf16>
    %squeeze3A_321 = vector.shape_cast %slice3A_320 : vector<1x64x128xbf16> to vector<64x128xbf16>
    %dot_general3A_322 = arith.constant dense<0.000000e+00> : vector<160x128xf32>
    %dot_general3A_323 = tpu.matmul %reshape3A_268, %squeeze3A_321, %dot_general3A_322 {dimension_numbers = #tpu.dot_dimension_numbers<[1], [0], [0], [1], [0, 0, 1, 1], [], []>, transpose_lhs_hint = false} : vector<160x64xbf16>, vector<64x128xbf16>, vector<160x128xf32> -> vector<160x128xf32>
    %reshape3A_324 = vector.shape_cast %dot_general3A_323 : vector<160x128xf32> to vector<10x16x128xf32>
    %broadcast_in_dim3A_325 = vector.shape_cast %get3A_267 : vector<1x128xf32> to vector<1x1x128xf32>
    %add3A_326 = vector.broadcast %broadcast_in_dim3A_325 : vector<1x1x128xf32> to vector<10x16x128xf32>
    %add3A_327 = arith.addf %reshape3A_324, %add3A_326 : vector<10x16x128xf32>
    %ge3A_328 = arith.constant 0.000000e+00 : f32
    %ge3A_329 = vector.broadcast %ge3A_328 : f32 to vector<10x16x128xf32>
    %ge3A_330 = arith.cmpf oge, %add3A_327, %ge3A_329 : vector<10x16x128xf32>
    %mul3A_331 = arith.constant 0.00999999977 : f32
    %mul3A_332 = vector.broadcast %mul3A_331 : f32 to vector<10x16x128xf32>
    %mul3A_333 = arith.mulf %mul3A_332, %add3A_327 : vector<10x16x128xf32>
    %select_n3A_334 = arith.select %ge3A_330, %add3A_327, %mul3A_333 : vector<10x16x128xi1>, vector<10x16x128xf32>
    %convert_element_type3A_335 = arith.truncf %select_n3A_334 : vector<10x16x128xf32> to vector<10x16x128xbf16>
    %broadcast_in_dim3A_336 = vector.shape_cast %convert_element_type3A_335 : vector<10x16x128xbf16> to vector<10x1x16x128xbf16>
    %slice3A_337 = vector.extract_strided_slice %get3A_264 {offsets = [4, 0, 0], sizes = [1, 64, 128], strides = [1, 1, 1]} : vector<5x64x128xbf16> to vector<1x64x128xbf16>
    %squeeze3A_338 = vector.shape_cast %slice3A_337 : vector<1x64x128xbf16> to vector<64x128xbf16>
    %dot_general3A_339 = arith.constant dense<0.000000e+00> : vector<160x128xf32>
    %dot_general3A_340 = tpu.matmul %reshape3A_268, %squeeze3A_338, %dot_general3A_339 {dimension_numbers = #tpu.dot_dimension_numbers<[1], [0], [0], [1], [0, 0, 1, 1], [], []>, transpose_lhs_hint = false} : vector<160x64xbf16>, vector<64x128xbf16>, vector<160x128xf32> -> vector<160x128xf32>
    %reshape3A_341 = vector.shape_cast %dot_general3A_340 : vector<160x128xf32> to vector<10x16x128xf32>
    %broadcast_in_dim3A_342 = vector.shape_cast %get3A_267 : vector<1x128xf32> to vector<1x1x128xf32>
    %add3A_343 = vector.broadcast %broadcast_in_dim3A_342 : vector<1x1x128xf32> to vector<10x16x128xf32>
    %add3A_344 = arith.addf %reshape3A_341, %add3A_343 : vector<10x16x128xf32>
    %ge3A_345 = arith.constant 0.000000e+00 : f32
    %ge3A_346 = vector.broadcast %ge3A_345 : f32 to vector<10x16x128xf32>
    %ge3A_347 = arith.cmpf oge, %add3A_344, %ge3A_346 : vector<10x16x128xf32>
    %mul3A_348 = arith.constant 0.00999999977 : f32
    %mul3A_349 = vector.broadcast %mul3A_348 : f32 to vector<10x16x128xf32>
    %mul3A_350 = arith.mulf %mul3A_349, %add3A_344 : vector<10x16x128xf32>
    %select_n3A_351 = arith.select %ge3A_347, %add3A_344, %mul3A_350 : vector<10x16x128xi1>, vector<10x16x128xf32>
    %convert_element_type3A_352 = arith.truncf %select_n3A_351 : vector<10x16x128xf32> to vector<10x16x128xbf16>
    %broadcast_in_dim3A_353 = vector.shape_cast %convert_element_type3A_352 : vector<10x16x128xbf16> to vector<10x1x16x128xbf16>
    %concatenate3A_354 = tpu.concatenate %broadcast_in_dim3A_285, %broadcast_in_dim3A_302, %broadcast_in_dim3A_319, %broadcast_in_dim3A_336, %broadcast_in_dim3A_353 in 1 : vector<10x1x16x128xbf16>, vector<10x1x16x128xbf16>, vector<10x1x16x128xbf16>, vector<10x1x16x128xbf16>, vector<10x1x16x128xbf16> -> vector<10x5x16x128xbf16>
    %reshape3A_355 = vector.shape_cast %concatenate3A_354 : vector<10x5x16x128xbf16> to vector<50x16x128xbf16>
    %get3A_356 = arith.constant 0 : index
    %get3A_357 = arith.constant 0 : index
    %get3A_358 = arith.constant 0 : index
    %get3A_359 = vector.load %arg15[%get3A_356, %get3A_357, %get3A_358] : memref<3x192x64xbf16, #tpu.memory_space<vmem>>, vector<3x192x64xbf16>
    %get3A_360 = arith.constant 0 : index
    %get3A_361 = arith.constant 0 : index
    %get3A_362 = vector.load %arg16[%get3A_360, %get3A_361] : memref<1x64xf32, #tpu.memory_space<vmem>>, vector<1x64xf32>
    %broadcast_in_dim3A_363 = arith.constant 0.000000e+00 : bf16
    %broadcast_in_dim3A_364 = vector.broadcast %broadcast_in_dim3A_363 : bf16 to vector<50x1x32xbf16>
    %slice3A_365 = vector.extract_strided_slice %reshape3A_355 {offsets = [0, 0, 96], sizes = [50, 15, 32], strides = [1, 1, 1]} : vector<50x16x128xbf16> to vector<50x15x32xbf16>
    %concatenate3A_366 = tpu.concatenate %broadcast_in_dim3A_364, %slice3A_365 in 1 : vector<50x1x32xbf16>, vector<50x15x32xbf16> -> vector<50x16x32xbf16>
    %slice3A_367 = vector.extract_strided_slice %reshape3A_355 {offsets = [0, 1, 0], sizes = [50, 15, 32], strides = [1, 1, 1]} : vector<50x16x128xbf16> to vector<50x15x32xbf16>
    %concatenate3A_368 = tpu.concatenate %slice3A_367, %broadcast_in_dim3A_364 in 1 : vector<50x15x32xbf16>, vector<50x1x32xbf16> -> vector<50x16x32xbf16>
    %concatenate3A_369 = tpu.concatenate %reshape3A_355, %concatenate3A_366, %concatenate3A_368 in 2 : vector<50x16x128xbf16>, vector<50x16x32xbf16>, vector<50x16x32xbf16> -> vector<50x16x192xbf16>
    %broadcast_in_dim3A_370 = arith.constant 0.000000e+00 : bf16
    %broadcast_in_dim3A_371 = vector.broadcast %broadcast_in_dim3A_370 : bf16 to vector<1x16x192xbf16>
    %concatenate3A_372 = tpu.concatenate %broadcast_in_dim3A_371, %concatenate3A_369, %broadcast_in_dim3A_371 in 0 : vector<1x16x192xbf16>, vector<50x16x192xbf16>, vector<1x16x192xbf16> -> vector<52x16x192xbf16>
    %slice3A_373 = vector.extract_strided_slice %concatenate3A_372 {offsets = [0, 0, 0], sizes = [50, 16, 192], strides = [1, 1, 1]} : vector<52x16x192xbf16> to vector<50x16x192xbf16>
    %reshape3A_374 = vector.shape_cast %slice3A_373 : vector<50x16x192xbf16> to vector<800x192xbf16>
    %slice3A_375 = vector.extract_strided_slice %get3A_359 {offsets = [0, 0, 0], sizes = [1, 192, 64], strides = [1, 1, 1]} : vector<3x192x64xbf16> to vector<1x192x64xbf16>
    %squeeze3A_376 = vector.shape_cast %slice3A_375 : vector<1x192x64xbf16> to vector<192x64xbf16>
    %dot_general3A_377 = arith.constant dense<0.000000e+00> : vector<800x64xf32>
    %dot_general3A_378 = tpu.matmul %reshape3A_374, %squeeze3A_376, %dot_general3A_377 {dimension_numbers = #tpu.dot_dimension_numbers<[1], [0], [0], [1], [0, 0, 1, 1], [], []>, transpose_lhs_hint = false} : vector<800x192xbf16>, vector<192x64xbf16>, vector<800x64xf32> -> vector<800x64xf32>
    %slice3A_379 = vector.extract_strided_slice %concatenate3A_372 {offsets = [1, 0, 0], sizes = [50, 16, 192], strides = [1, 1, 1]} : vector<52x16x192xbf16> to vector<50x16x192xbf16>
    %reshape3A_380 = vector.shape_cast %slice3A_379 : vector<50x16x192xbf16> to vector<800x192xbf16>
    %slice3A_381 = vector.extract_strided_slice %get3A_359 {offsets = [1, 0, 0], sizes = [1, 192, 64], strides = [1, 1, 1]} : vector<3x192x64xbf16> to vector<1x192x64xbf16>
    %squeeze3A_382 = vector.shape_cast %slice3A_381 : vector<1x192x64xbf16> to vector<192x64xbf16>
    %dot_general3A_383 = arith.constant dense<0.000000e+00> : vector<800x64xf32>
    %dot_general3A_384 = tpu.matmul %reshape3A_380, %squeeze3A_382, %dot_general3A_383 {dimension_numbers = #tpu.dot_dimension_numbers<[1], [0], [0], [1], [0, 0, 1, 1], [], []>, transpose_lhs_hint = false} : vector<800x192xbf16>, vector<192x64xbf16>, vector<800x64xf32> -> vector<800x64xf32>
    %add3A_385 = arith.addf %dot_general3A_378, %dot_general3A_384 : vector<800x64xf32>
    %slice3A_386 = vector.extract_strided_slice %concatenate3A_372 {offsets = [2, 0, 0], sizes = [50, 16, 192], strides = [1, 1, 1]} : vector<52x16x192xbf16> to vector<50x16x192xbf16>
    %reshape3A_387 = vector.shape_cast %slice3A_386 : vector<50x16x192xbf16> to vector<800x192xbf16>
    %slice3A_388 = vector.extract_strided_slice %get3A_359 {offsets = [2, 0, 0], sizes = [1, 192, 64], strides = [1, 1, 1]} : vector<3x192x64xbf16> to vector<1x192x64xbf16>
    %squeeze3A_389 = vector.shape_cast %slice3A_388 : vector<1x192x64xbf16> to vector<192x64xbf16>
    %dot_general3A_390 = arith.constant dense<0.000000e+00> : vector<800x64xf32>
    %dot_general3A_391 = tpu.matmul %reshape3A_387, %squeeze3A_389, %dot_general3A_390 {dimension_numbers = #tpu.dot_dimension_numbers<[1], [0], [0], [1], [0, 0, 1, 1], [], []>, transpose_lhs_hint = false} : vector<800x192xbf16>, vector<192x64xbf16>, vector<800x64xf32> -> vector<800x64xf32>
    %add3A_392 = arith.addf %add3A_385, %dot_general3A_391 : vector<800x64xf32>
    %reshape3A_393 = vector.shape_cast %add3A_392 : vector<800x64xf32> to vector<50x16x64xf32>
    %broadcast_in_dim3A_394 = vector.shape_cast %get3A_362 : vector<1x64xf32> to vector<1x1x64xf32>
    %add3A_395 = vector.broadcast %broadcast_in_dim3A_394 : vector<1x1x64xf32> to vector<50x16x64xf32>
    %add3A_396 = arith.addf %reshape3A_393, %add3A_395 : vector<50x16x64xf32>
    %convert_element_type3A_397 = arith.truncf %add3A_396 : vector<50x16x64xf32> to vector<50x16x64xbf16>
    %ge3A_398 = arith.constant 0.000000e+00 : bf16
    %ge3A_399 = vector.broadcast %ge3A_398 : bf16 to vector<50x16x64xbf16>
    %ge3A_400 = arith.cmpf oge, %convert_element_type3A_397, %ge3A_399 : vector<50x16x64xbf16>
    %mul3A_401 = arith.constant 1.000980e-02 : bf16
    %mul3A_402 = vector.broadcast %mul3A_401 : bf16 to vector<50x16x64xbf16>
    %mul3A_403 = arith.mulf %mul3A_402, %convert_element_type3A_397 : vector<50x16x64xbf16>
    %select_n3A_404 = arith.select %ge3A_400, %convert_element_type3A_397, %mul3A_403 : vector<50x16x64xi1>, vector<50x16x64xbf16>
    %get3A_405 = arith.constant 0 : index
    %get3A_406 = arith.constant 0 : index
    %get3A_407 = arith.constant 0 : index
    %get3A_408 = vector.load %arg17[%get3A_405, %get3A_406, %get3A_407] : memref<5x64x128xbf16, #tpu.memory_space<vmem>>, vector<5x64x128xbf16>
    %get3A_409 = arith.constant 0 : index
    %get3A_410 = arith.constant 0 : index
    %get3A_411 = vector.load %arg18[%get3A_409, %get3A_410] : memref<1x128xf32, #tpu.memory_space<vmem>>, vector<1x128xf32>
    %reshape3A_412 = vector.shape_cast %select_n3A_404 : vector<50x16x64xbf16> to vector<800x64xbf16>
    %slice3A_413 = vector.extract_strided_slice %get3A_408 {offsets = [0, 0, 0], sizes = [1, 64, 128], strides = [1, 1, 1]} : vector<5x64x128xbf16> to vector<1x64x128xbf16>
    %squeeze3A_414 = vector.shape_cast %slice3A_413 : vector<1x64x128xbf16> to vector<64x128xbf16>
    %dot_general3A_415 = arith.constant dense<0.000000e+00> : vector<800x128xf32>
    %dot_general3A_416 = tpu.matmul %reshape3A_412, %squeeze3A_414, %dot_general3A_415 {dimension_numbers = #tpu.dot_dimension_numbers<[1], [0], [0], [1], [0, 0, 1, 1], [], []>, transpose_lhs_hint = false} : vector<800x64xbf16>, vector<64x128xbf16>, vector<800x128xf32> -> vector<800x128xf32>
    %reshape3A_417 = vector.shape_cast %dot_general3A_416 : vector<800x128xf32> to vector<50x16x128xf32>
    %broadcast_in_dim3A_418 = vector.shape_cast %get3A_411 : vector<1x128xf32> to vector<1x1x128xf32>
    %add3A_419 = vector.broadcast %broadcast_in_dim3A_418 : vector<1x1x128xf32> to vector<50x16x128xf32>
    %add3A_420 = arith.addf %reshape3A_417, %add3A_419 : vector<50x16x128xf32>
    %ge3A_421 = arith.constant 0.000000e+00 : f32
    %ge3A_422 = vector.broadcast %ge3A_421 : f32 to vector<50x16x128xf32>
    %ge3A_423 = arith.cmpf oge, %add3A_420, %ge3A_422 : vector<50x16x128xf32>
    %mul3A_424 = arith.constant 0.00999999977 : f32
    %mul3A_425 = vector.broadcast %mul3A_424 : f32 to vector<50x16x128xf32>
    %mul3A_426 = arith.mulf %mul3A_425, %add3A_420 : vector<50x16x128xf32>
    %select_n3A_427 = arith.select %ge3A_423, %add3A_420, %mul3A_426 : vector<50x16x128xi1>, vector<50x16x128xf32>
    %convert_element_type3A_428 = arith.truncf %select_n3A_427 : vector<50x16x128xf32> to vector<50x16x128xbf16>
    %broadcast_in_dim3A_429 = vector.shape_cast %convert_element_type3A_428 : vector<50x16x128xbf16> to vector<50x1x16x128xbf16>
    %slice3A_430 = vector.extract_strided_slice %get3A_408 {offsets = [1, 0, 0], sizes = [1, 64, 128], strides = [1, 1, 1]} : vector<5x64x128xbf16> to vector<1x64x128xbf16>
    %squeeze3A_431 = vector.shape_cast %slice3A_430 : vector<1x64x128xbf16> to vector<64x128xbf16>
    %dot_general3A_432 = arith.constant dense<0.000000e+00> : vector<800x128xf32>
    %dot_general3A_433 = tpu.matmul %reshape3A_412, %squeeze3A_431, %dot_general3A_432 {dimension_numbers = #tpu.dot_dimension_numbers<[1], [0], [0], [1], [0, 0, 1, 1], [], []>, transpose_lhs_hint = false} : vector<800x64xbf16>, vector<64x128xbf16>, vector<800x128xf32> -> vector<800x128xf32>
    %reshape3A_434 = vector.shape_cast %dot_general3A_433 : vector<800x128xf32> to vector<50x16x128xf32>
    %broadcast_in_dim3A_435 = vector.shape_cast %get3A_411 : vector<1x128xf32> to vector<1x1x128xf32>
    %add3A_436 = vector.broadcast %broadcast_in_dim3A_435 : vector<1x1x128xf32> to vector<50x16x128xf32>
    %add3A_437 = arith.addf %reshape3A_434, %add3A_436 : vector<50x16x128xf32>
    %ge3A_438 = arith.constant 0.000000e+00 : f32
    %ge3A_439 = vector.broadcast %ge3A_438 : f32 to vector<50x16x128xf32>
    %ge3A_440 = arith.cmpf oge, %add3A_437, %ge3A_439 : vector<50x16x128xf32>
    %mul3A_441 = arith.constant 0.00999999977 : f32
    %mul3A_442 = vector.broadcast %mul3A_441 : f32 to vector<50x16x128xf32>
    %mul3A_443 = arith.mulf %mul3A_442, %add3A_437 : vector<50x16x128xf32>
    %select_n3A_444 = arith.select %ge3A_440, %add3A_437, %mul3A_443 : vector<50x16x128xi1>, vector<50x16x128xf32>
    %convert_element_type3A_445 = arith.truncf %select_n3A_444 : vector<50x16x128xf32> to vector<50x16x128xbf16>
    %broadcast_in_dim3A_446 = vector.shape_cast %convert_element_type3A_445 : vector<50x16x128xbf16> to vector<50x1x16x128xbf16>
    %slice3A_447 = vector.extract_strided_slice %get3A_408 {offsets = [2, 0, 0], sizes = [1, 64, 128], strides = [1, 1, 1]} : vector<5x64x128xbf16> to vector<1x64x128xbf16>
    %squeeze3A_448 = vector.shape_cast %slice3A_447 : vector<1x64x128xbf16> to vector<64x128xbf16>
    %dot_general3A_449 = arith.constant dense<0.000000e+00> : vector<800x128xf32>
    %dot_general3A_450 = tpu.matmul %reshape3A_412, %squeeze3A_448, %dot_general3A_449 {dimension_numbers = #tpu.dot_dimension_numbers<[1], [0], [0], [1], [0, 0, 1, 1], [], []>, transpose_lhs_hint = false} : vector<800x64xbf16>, vector<64x128xbf16>, vector<800x128xf32> -> vector<800x128xf32>
    %reshape3A_451 = vector.shape_cast %dot_general3A_450 : vector<800x128xf32> to vector<50x16x128xf32>
    %broadcast_in_dim3A_452 = vector.shape_cast %get3A_411 : vector<1x128xf32> to vector<1x1x128xf32>
    %add3A_453 = vector.broadcast %broadcast_in_dim3A_452 : vector<1x1x128xf32> to vector<50x16x128xf32>
    %add3A_454 = arith.addf %reshape3A_451, %add3A_453 : vector<50x16x128xf32>
    %ge3A_455 = arith.constant 0.000000e+00 : f32
    %ge3A_456 = vector.broadcast %ge3A_455 : f32 to vector<50x16x128xf32>
    %ge3A_457 = arith.cmpf oge, %add3A_454, %ge3A_456 : vector<50x16x128xf32>
    %mul3A_458 = arith.constant 0.00999999977 : f32
    %mul3A_459 = vector.broadcast %mul3A_458 : f32 to vector<50x16x128xf32>
    %mul3A_460 = arith.mulf %mul3A_459, %add3A_454 : vector<50x16x128xf32>
    %select_n3A_461 = arith.select %ge3A_457, %add3A_454, %mul3A_460 : vector<50x16x128xi1>, vector<50x16x128xf32>
    %convert_element_type3A_462 = arith.truncf %select_n3A_461 : vector<50x16x128xf32> to vector<50x16x128xbf16>
    %broadcast_in_dim3A_463 = vector.shape_cast %convert_element_type3A_462 : vector<50x16x128xbf16> to vector<50x1x16x128xbf16>
    %slice3A_464 = vector.extract_strided_slice %get3A_408 {offsets = [3, 0, 0], sizes = [1, 64, 128], strides = [1, 1, 1]} : vector<5x64x128xbf16> to vector<1x64x128xbf16>
    %squeeze3A_465 = vector.shape_cast %slice3A_464 : vector<1x64x128xbf16> to vector<64x128xbf16>
    %dot_general3A_466 = arith.constant dense<0.000000e+00> : vector<800x128xf32>
    %dot_general3A_467 = tpu.matmul %reshape3A_412, %squeeze3A_465, %dot_general3A_466 {dimension_numbers = #tpu.dot_dimension_numbers<[1], [0], [0], [1], [0, 0, 1, 1], [], []>, transpose_lhs_hint = false} : vector<800x64xbf16>, vector<64x128xbf16>, vector<800x128xf32> -> vector<800x128xf32>
    %reshape3A_468 = vector.shape_cast %dot_general3A_467 : vector<800x128xf32> to vector<50x16x128xf32>
    %broadcast_in_dim3A_469 = vector.shape_cast %get3A_411 : vector<1x128xf32> to vector<1x1x128xf32>
    %add3A_470 = vector.broadcast %broadcast_in_dim3A_469 : vector<1x1x128xf32> to vector<50x16x128xf32>
    %add3A_471 = arith.addf %reshape3A_468, %add3A_470 : vector<50x16x128xf32>
    %ge3A_472 = arith.constant 0.000000e+00 : f32
    %ge3A_473 = vector.broadcast %ge3A_472 : f32 to vector<50x16x128xf32>
    %ge3A_474 = arith.cmpf oge, %add3A_471, %ge3A_473 : vector<50x16x128xf32>
    %mul3A_475 = arith.constant 0.00999999977 : f32
    %mul3A_476 = vector.broadcast %mul3A_475 : f32 to vector<50x16x128xf32>
    %mul3A_477 = arith.mulf %mul3A_476, %add3A_471 : vector<50x16x128xf32>
    %select_n3A_478 = arith.select %ge3A_474, %add3A_471, %mul3A_477 : vector<50x16x128xi1>, vector<50x16x128xf32>
    %convert_element_type3A_479 = arith.truncf %select_n3A_478 : vector<50x16x128xf32> to vector<50x16x128xbf16>
    %broadcast_in_dim3A_480 = vector.shape_cast %convert_element_type3A_479 : vector<50x16x128xbf16> to vector<50x1x16x128xbf16>
    %slice3A_481 = vector.extract_strided_slice %get3A_408 {offsets = [4, 0, 0], sizes = [1, 64, 128], strides = [1, 1, 1]} : vector<5x64x128xbf16> to vector<1x64x128xbf16>
    %squeeze3A_482 = vector.shape_cast %slice3A_481 : vector<1x64x128xbf16> to vector<64x128xbf16>
    %dot_general3A_483 = arith.constant dense<0.000000e+00> : vector<800x128xf32>
    %dot_general3A_484 = tpu.matmul %reshape3A_412, %squeeze3A_482, %dot_general3A_483 {dimension_numbers = #tpu.dot_dimension_numbers<[1], [0], [0], [1], [0, 0, 1, 1], [], []>, transpose_lhs_hint = false} : vector<800x64xbf16>, vector<64x128xbf16>, vector<800x128xf32> -> vector<800x128xf32>
    %reshape3A_485 = vector.shape_cast %dot_general3A_484 : vector<800x128xf32> to vector<50x16x128xf32>
    %broadcast_in_dim3A_486 = vector.shape_cast %get3A_411 : vector<1x128xf32> to vector<1x1x128xf32>
    %add3A_487 = vector.broadcast %broadcast_in_dim3A_486 : vector<1x1x128xf32> to vector<50x16x128xf32>
    %add3A_488 = arith.addf %reshape3A_485, %add3A_487 : vector<50x16x128xf32>
    %ge3A_489 = arith.constant 0.000000e+00 : f32
    %ge3A_490 = vector.broadcast %ge3A_489 : f32 to vector<50x16x128xf32>
    %ge3A_491 = arith.cmpf oge, %add3A_488, %ge3A_490 : vector<50x16x128xf32>
    %mul3A_492 = arith.constant 0.00999999977 : f32
    %mul3A_493 = vector.broadcast %mul3A_492 : f32 to vector<50x16x128xf32>
    %mul3A_494 = arith.mulf %mul3A_493, %add3A_488 : vector<50x16x128xf32>
    %select_n3A_495 = arith.select %ge3A_491, %add3A_488, %mul3A_494 : vector<50x16x128xi1>, vector<50x16x128xf32>
    %convert_element_type3A_496 = arith.truncf %select_n3A_495 : vector<50x16x128xf32> to vector<50x16x128xbf16>
    %broadcast_in_dim3A_497 = vector.shape_cast %convert_element_type3A_496 : vector<50x16x128xbf16> to vector<50x1x16x128xbf16>
    %concatenate3A_498 = tpu.concatenate %broadcast_in_dim3A_429, %broadcast_in_dim3A_446, %broadcast_in_dim3A_463, %broadcast_in_dim3A_480, %broadcast_in_dim3A_497 in 1 : vector<50x1x16x128xbf16>, vector<50x1x16x128xbf16>, vector<50x1x16x128xbf16>, vector<50x1x16x128xbf16>, vector<50x1x16x128xbf16> -> vector<50x5x16x128xbf16>
    %reshape3A_499 = vector.shape_cast %concatenate3A_498 : vector<50x5x16x128xbf16> to vector<250x16x128xbf16>
    %get3A_500 = arith.constant 0 : index
    %get3A_501 = arith.constant 0 : index
    %get3A_502 = arith.constant 0 : index
    %get3A_503 = vector.load %arg19[%get3A_500, %get3A_501, %get3A_502] : memref<3x160x64xbf16, #tpu.memory_space<vmem>>, vector<3x160x64xbf16>
    %get3A_504 = arith.constant 0 : index
    %get3A_505 = arith.constant 0 : index
    %get3A_506 = vector.load %arg20[%get3A_504, %get3A_505] : memref<1x64xf32, #tpu.memory_space<vmem>>, vector<1x64xf32>
    %broadcast_in_dim3A_507 = arith.constant 0.000000e+00 : bf16
    %broadcast_in_dim3A_508 = vector.broadcast %broadcast_in_dim3A_507 : bf16 to vector<250x1x16xbf16>
    %slice3A_509 = vector.extract_strided_slice %reshape3A_499 {offsets = [0, 0, 112], sizes = [250, 15, 16], strides = [1, 1, 1]} : vector<250x16x128xbf16> to vector<250x15x16xbf16>
    %concatenate3A_510 = tpu.concatenate %broadcast_in_dim3A_508, %slice3A_509 in 1 : vector<250x1x16xbf16>, vector<250x15x16xbf16> -> vector<250x16x16xbf16>
    %slice3A_511 = vector.extract_strided_slice %reshape3A_499 {offsets = [0, 1, 0], sizes = [250, 15, 16], strides = [1, 1, 1]} : vector<250x16x128xbf16> to vector<250x15x16xbf16>
    %concatenate3A_512 = tpu.concatenate %slice3A_511, %broadcast_in_dim3A_508 in 1 : vector<250x15x16xbf16>, vector<250x1x16xbf16> -> vector<250x16x16xbf16>
    %concatenate3A_513 = tpu.concatenate %reshape3A_499, %concatenate3A_510, %concatenate3A_512 in 2 : vector<250x16x128xbf16>, vector<250x16x16xbf16>, vector<250x16x16xbf16> -> vector<250x16x160xbf16>
    %broadcast_in_dim3A_514 = arith.constant 0.000000e+00 : bf16
    %broadcast_in_dim3A_515 = vector.broadcast %broadcast_in_dim3A_514 : bf16 to vector<1x16x160xbf16>
    %concatenate3A_516 = tpu.concatenate %broadcast_in_dim3A_515, %concatenate3A_513, %broadcast_in_dim3A_515 in 0 : vector<1x16x160xbf16>, vector<250x16x160xbf16>, vector<1x16x160xbf16> -> vector<252x16x160xbf16>
    %slice3A_517 = vector.extract_strided_slice %concatenate3A_516 {offsets = [0, 0, 0], sizes = [250, 16, 160], strides = [1, 1, 1]} : vector<252x16x160xbf16> to vector<250x16x160xbf16>
    %reshape3A_518 = vector.shape_cast %slice3A_517 : vector<250x16x160xbf16> to vector<4000x160xbf16>
    %slice3A_519 = vector.extract_strided_slice %get3A_503 {offsets = [0, 0, 0], sizes = [1, 160, 64], strides = [1, 1, 1]} : vector<3x160x64xbf16> to vector<1x160x64xbf16>
    %squeeze3A_520 = vector.shape_cast %slice3A_519 : vector<1x160x64xbf16> to vector<160x64xbf16>
    %dot_general3A_521 = arith.constant dense<0.000000e+00> : vector<4000x64xf32>
    %dot_general3A_522 = tpu.matmul %reshape3A_518, %squeeze3A_520, %dot_general3A_521 {dimension_numbers = #tpu.dot_dimension_numbers<[1], [0], [0], [1], [0, 0, 1, 1], [], []>, transpose_lhs_hint = false} : vector<4000x160xbf16>, vector<160x64xbf16>, vector<4000x64xf32> -> vector<4000x64xf32>
    %slice3A_523 = vector.extract_strided_slice %concatenate3A_516 {offsets = [1, 0, 0], sizes = [250, 16, 160], strides = [1, 1, 1]} : vector<252x16x160xbf16> to vector<250x16x160xbf16>
    %reshape3A_524 = vector.shape_cast %slice3A_523 : vector<250x16x160xbf16> to vector<4000x160xbf16>
    %slice3A_525 = vector.extract_strided_slice %get3A_503 {offsets = [1, 0, 0], sizes = [1, 160, 64], strides = [1, 1, 1]} : vector<3x160x64xbf16> to vector<1x160x64xbf16>
    %squeeze3A_526 = vector.shape_cast %slice3A_525 : vector<1x160x64xbf16> to vector<160x64xbf16>
    %dot_general3A_527 = arith.constant dense<0.000000e+00> : vector<4000x64xf32>
    %dot_general3A_528 = tpu.matmul %reshape3A_524, %squeeze3A_526, %dot_general3A_527 {dimension_numbers = #tpu.dot_dimension_numbers<[1], [0], [0], [1], [0, 0, 1, 1], [], []>, transpose_lhs_hint = false} : vector<4000x160xbf16>, vector<160x64xbf16>, vector<4000x64xf32> -> vector<4000x64xf32>
    %add3A_529 = arith.addf %dot_general3A_522, %dot_general3A_528 : vector<4000x64xf32>
    %slice3A_530 = vector.extract_strided_slice %concatenate3A_516 {offsets = [2, 0, 0], sizes = [250, 16, 160], strides = [1, 1, 1]} : vector<252x16x160xbf16> to vector<250x16x160xbf16>
    %reshape3A_531 = vector.shape_cast %slice3A_530 : vector<250x16x160xbf16> to vector<4000x160xbf16>
    %slice3A_532 = vector.extract_strided_slice %get3A_503 {offsets = [2, 0, 0], sizes = [1, 160, 64], strides = [1, 1, 1]} : vector<3x160x64xbf16> to vector<1x160x64xbf16>
    %squeeze3A_533 = vector.shape_cast %slice3A_532 : vector<1x160x64xbf16> to vector<160x64xbf16>
    %dot_general3A_534 = arith.constant dense<0.000000e+00> : vector<4000x64xf32>
    %dot_general3A_535 = tpu.matmul %reshape3A_531, %squeeze3A_533, %dot_general3A_534 {dimension_numbers = #tpu.dot_dimension_numbers<[1], [0], [0], [1], [0, 0, 1, 1], [], []>, transpose_lhs_hint = false} : vector<4000x160xbf16>, vector<160x64xbf16>, vector<4000x64xf32> -> vector<4000x64xf32>
    %add3A_536 = arith.addf %add3A_529, %dot_general3A_535 : vector<4000x64xf32>
    %reshape3A_537 = vector.shape_cast %add3A_536 : vector<4000x64xf32> to vector<250x16x64xf32>
    %broadcast_in_dim3A_538 = vector.shape_cast %get3A_506 : vector<1x64xf32> to vector<1x1x64xf32>
    %add3A_539 = vector.broadcast %broadcast_in_dim3A_538 : vector<1x1x64xf32> to vector<250x16x64xf32>
    %add3A_540 = arith.addf %reshape3A_537, %add3A_539 : vector<250x16x64xf32>
    %convert_element_type3A_541 = arith.truncf %add3A_540 : vector<250x16x64xf32> to vector<250x16x64xbf16>
    %ge3A_542 = arith.constant 0.000000e+00 : bf16
    %ge3A_543 = vector.broadcast %ge3A_542 : bf16 to vector<250x16x64xbf16>
    %ge3A_544 = arith.cmpf oge, %convert_element_type3A_541, %ge3A_543 : vector<250x16x64xbf16>
    %mul3A_545 = arith.constant 1.000980e-02 : bf16
    %mul3A_546 = vector.broadcast %mul3A_545 : bf16 to vector<250x16x64xbf16>
    %mul3A_547 = arith.mulf %mul3A_546, %convert_element_type3A_541 : vector<250x16x64xbf16>
    %select_n3A_548 = arith.select %ge3A_544, %convert_element_type3A_541, %mul3A_547 : vector<250x16x64xi1>, vector<250x16x64xbf16>
    %get3A_549 = arith.constant 0 : index
    %get3A_550 = arith.constant 0 : index
    %get3A_551 = arith.constant 0 : index
    %get3A_552 = vector.load %arg21[%get3A_549, %get3A_550, %get3A_551] : memref<2x64x128xbf16, #tpu.memory_space<vmem>>, vector<2x64x128xbf16>
    %get3A_553 = arith.constant 0 : index
    %get3A_554 = arith.constant 0 : index
    %get3A_555 = vector.load %arg22[%get3A_553, %get3A_554] : memref<1x128xf32, #tpu.memory_space<vmem>>, vector<1x128xf32>
    %reshape3A_556 = vector.shape_cast %select_n3A_548 : vector<250x16x64xbf16> to vector<4000x64xbf16>
    %slice3A_557 = vector.extract_strided_slice %get3A_552 {offsets = [0, 0, 0], sizes = [1, 64, 128], strides = [1, 1, 1]} : vector<2x64x128xbf16> to vector<1x64x128xbf16>
    %squeeze3A_558 = vector.shape_cast %slice3A_557 : vector<1x64x128xbf16> to vector<64x128xbf16>
    %dot_general3A_559 = arith.constant dense<0.000000e+00> : vector<4000x128xf32>
    %dot_general3A_560 = tpu.matmul %reshape3A_556, %squeeze3A_558, %dot_general3A_559 {dimension_numbers = #tpu.dot_dimension_numbers<[1], [0], [0], [1], [0, 0, 1, 1], [], []>, transpose_lhs_hint = false} : vector<4000x64xbf16>, vector<64x128xbf16>, vector<4000x128xf32> -> vector<4000x128xf32>
    %reshape3A_561 = vector.shape_cast %dot_general3A_560 : vector<4000x128xf32> to vector<250x16x128xf32>
    %broadcast_in_dim3A_562 = vector.shape_cast %get3A_555 : vector<1x128xf32> to vector<1x1x128xf32>
    %add3A_563 = vector.broadcast %broadcast_in_dim3A_562 : vector<1x1x128xf32> to vector<250x16x128xf32>
    %add3A_564 = arith.addf %reshape3A_561, %add3A_563 : vector<250x16x128xf32>
    %ge3A_565 = arith.constant 0.000000e+00 : f32
    %ge3A_566 = vector.broadcast %ge3A_565 : f32 to vector<250x16x128xf32>
    %ge3A_567 = arith.cmpf oge, %add3A_564, %ge3A_566 : vector<250x16x128xf32>
    %mul3A_568 = arith.constant 0.00999999977 : f32
    %mul3A_569 = vector.broadcast %mul3A_568 : f32 to vector<250x16x128xf32>
    %mul3A_570 = arith.mulf %mul3A_569, %add3A_564 : vector<250x16x128xf32>
    %select_n3A_571 = arith.select %ge3A_567, %add3A_564, %mul3A_570 : vector<250x16x128xi1>, vector<250x16x128xf32>
    %convert_element_type3A_572 = arith.truncf %select_n3A_571 : vector<250x16x128xf32> to vector<250x16x128xbf16>
    %broadcast_in_dim3A_573 = vector.shape_cast %convert_element_type3A_572 : vector<250x16x128xbf16> to vector<250x1x16x128xbf16>
    %slice3A_574 = vector.extract_strided_slice %get3A_552 {offsets = [1, 0, 0], sizes = [1, 64, 128], strides = [1, 1, 1]} : vector<2x64x128xbf16> to vector<1x64x128xbf16>
    %squeeze3A_575 = vector.shape_cast %slice3A_574 : vector<1x64x128xbf16> to vector<64x128xbf16>
    %dot_general3A_576 = arith.constant dense<0.000000e+00> : vector<4000x128xf32>
    %dot_general3A_577 = tpu.matmul %reshape3A_556, %squeeze3A_575, %dot_general3A_576 {dimension_numbers = #tpu.dot_dimension_numbers<[1], [0], [0], [1], [0, 0, 1, 1], [], []>, transpose_lhs_hint = false} : vector<4000x64xbf16>, vector<64x128xbf16>, vector<4000x128xf32> -> vector<4000x128xf32>
    %reshape3A_578 = vector.shape_cast %dot_general3A_577 : vector<4000x128xf32> to vector<250x16x128xf32>
    %broadcast_in_dim3A_579 = vector.shape_cast %get3A_555 : vector<1x128xf32> to vector<1x1x128xf32>
    %add3A_580 = vector.broadcast %broadcast_in_dim3A_579 : vector<1x1x128xf32> to vector<250x16x128xf32>
    %add3A_581 = arith.addf %reshape3A_578, %add3A_580 : vector<250x16x128xf32>
    %ge3A_582 = arith.constant 0.000000e+00 : f32
    %ge3A_583 = vector.broadcast %ge3A_582 : f32 to vector<250x16x128xf32>
    %ge3A_584 = arith.cmpf oge, %add3A_581, %ge3A_583 : vector<250x16x128xf32>
    %mul3A_585 = arith.constant 0.00999999977 : f32
    %mul3A_586 = vector.broadcast %mul3A_585 : f32 to vector<250x16x128xf32>
    %mul3A_587 = arith.mulf %mul3A_586, %add3A_581 : vector<250x16x128xf32>
    %select_n3A_588 = arith.select %ge3A_584, %add3A_581, %mul3A_587 : vector<250x16x128xi1>, vector<250x16x128xf32>
    %convert_element_type3A_589 = arith.truncf %select_n3A_588 : vector<250x16x128xf32> to vector<250x16x128xbf16>
    %broadcast_in_dim3A_590 = vector.shape_cast %convert_element_type3A_589 : vector<250x16x128xbf16> to vector<250x1x16x128xbf16>
    %concatenate3A_591 = tpu.concatenate %broadcast_in_dim3A_573, %broadcast_in_dim3A_590 in 1 : vector<250x1x16x128xbf16>, vector<250x1x16x128xbf16> -> vector<250x2x16x128xbf16>
    %reshape3A_592 = vector.shape_cast %concatenate3A_591 : vector<250x2x16x128xbf16> to vector<500x16x128xbf16>
    %get3A_593 = arith.constant 0 : index
    %get3A_594 = arith.constant 0 : index
    %get3A_595 = arith.constant 0 : index
    %get3A_596 = vector.load %arg23[%get3A_593, %get3A_594, %get3A_595] : memref<3x144x96xbf16, #tpu.memory_space<vmem>>, vector<3x144x96xbf16>
    %get3A_597 = arith.constant 0 : index
    %get3A_598 = arith.constant 0 : index
    %get3A_599 = vector.load %arg24[%get3A_597, %get3A_598] : memref<1x96xf32, #tpu.memory_space<vmem>>, vector<1x96xf32>
    %broadcast_in_dim3A_600 = arith.constant 0.000000e+00 : bf16
    %broadcast_in_dim3A_601 = vector.broadcast %broadcast_in_dim3A_600 : bf16 to vector<500x1x8xbf16>
    %slice3A_602 = vector.extract_strided_slice %reshape3A_592 {offsets = [0, 0, 120], sizes = [500, 15, 8], strides = [1, 1, 1]} : vector<500x16x128xbf16> to vector<500x15x8xbf16>
    %concatenate3A_603 = tpu.concatenate %broadcast_in_dim3A_601, %slice3A_602 in 1 : vector<500x1x8xbf16>, vector<500x15x8xbf16> -> vector<500x16x8xbf16>
    %slice3A_604 = vector.extract_strided_slice %reshape3A_592 {offsets = [0, 1, 0], sizes = [500, 15, 8], strides = [1, 1, 1]} : vector<500x16x128xbf16> to vector<500x15x8xbf16>
    %concatenate3A_605 = tpu.concatenate %slice3A_604, %broadcast_in_dim3A_601 in 1 : vector<500x15x8xbf16>, vector<500x1x8xbf16> -> vector<500x16x8xbf16>
    %concatenate3A_606 = tpu.concatenate %reshape3A_592, %concatenate3A_603, %concatenate3A_605 in 2 : vector<500x16x128xbf16>, vector<500x16x8xbf16>, vector<500x16x8xbf16> -> vector<500x16x144xbf16>
    %broadcast_in_dim3A_607 = arith.constant 0.000000e+00 : bf16
    %broadcast_in_dim3A_608 = vector.broadcast %broadcast_in_dim3A_607 : bf16 to vector<1x16x144xbf16>
    %concatenate3A_609 = tpu.concatenate %broadcast_in_dim3A_608, %concatenate3A_606, %broadcast_in_dim3A_608 in 0 : vector<1x16x144xbf16>, vector<500x16x144xbf16>, vector<1x16x144xbf16> -> vector<502x16x144xbf16>
    %slice3A_610 = vector.extract_strided_slice %concatenate3A_609 {offsets = [0, 0, 0], sizes = [500, 16, 144], strides = [1, 1, 1]} : vector<502x16x144xbf16> to vector<500x16x144xbf16>
    %reshape3A_611 = vector.shape_cast %slice3A_610 : vector<500x16x144xbf16> to vector<8000x144xbf16>
    %slice3A_612 = vector.extract_strided_slice %get3A_596 {offsets = [0, 0, 0], sizes = [1, 144, 96], strides = [1, 1, 1]} : vector<3x144x96xbf16> to vector<1x144x96xbf16>
    %squeeze3A_613 = vector.shape_cast %slice3A_612 : vector<1x144x96xbf16> to vector<144x96xbf16>
    %dot_general3A_614 = arith.constant dense<0.000000e+00> : vector<8000x96xf32>
    %dot_general3A_615 = tpu.matmul %reshape3A_611, %squeeze3A_613, %dot_general3A_614 {dimension_numbers = #tpu.dot_dimension_numbers<[1], [0], [0], [1], [0, 0, 1, 1], [], []>, transpose_lhs_hint = false} : vector<8000x144xbf16>, vector<144x96xbf16>, vector<8000x96xf32> -> vector<8000x96xf32>
    %slice3A_616 = vector.extract_strided_slice %concatenate3A_609 {offsets = [1, 0, 0], sizes = [500, 16, 144], strides = [1, 1, 1]} : vector<502x16x144xbf16> to vector<500x16x144xbf16>
    %reshape3A_617 = vector.shape_cast %slice3A_616 : vector<500x16x144xbf16> to vector<8000x144xbf16>
    %slice3A_618 = vector.extract_strided_slice %get3A_596 {offsets = [1, 0, 0], sizes = [1, 144, 96], strides = [1, 1, 1]} : vector<3x144x96xbf16> to vector<1x144x96xbf16>
    %squeeze3A_619 = vector.shape_cast %slice3A_618 : vector<1x144x96xbf16> to vector<144x96xbf16>
    %dot_general3A_620 = arith.constant dense<0.000000e+00> : vector<8000x96xf32>
    %dot_general3A_621 = tpu.matmul %reshape3A_617, %squeeze3A_619, %dot_general3A_620 {dimension_numbers = #tpu.dot_dimension_numbers<[1], [0], [0], [1], [0, 0, 1, 1], [], []>, transpose_lhs_hint = false} : vector<8000x144xbf16>, vector<144x96xbf16>, vector<8000x96xf32> -> vector<8000x96xf32>
    %add3A_622 = arith.addf %dot_general3A_615, %dot_general3A_621 : vector<8000x96xf32>
    %slice3A_623 = vector.extract_strided_slice %concatenate3A_609 {offsets = [2, 0, 0], sizes = [500, 16, 144], strides = [1, 1, 1]} : vector<502x16x144xbf16> to vector<500x16x144xbf16>
    %reshape3A_624 = vector.shape_cast %slice3A_623 : vector<500x16x144xbf16> to vector<8000x144xbf16>
    %slice3A_625 = vector.extract_strided_slice %get3A_596 {offsets = [2, 0, 0], sizes = [1, 144, 96], strides = [1, 1, 1]} : vector<3x144x96xbf16> to vector<1x144x96xbf16>
    %squeeze3A_626 = vector.shape_cast %slice3A_625 : vector<1x144x96xbf16> to vector<144x96xbf16>
    %dot_general3A_627 = arith.constant dense<0.000000e+00> : vector<8000x96xf32>
    %dot_general3A_628 = tpu.matmul %reshape3A_624, %squeeze3A_626, %dot_general3A_627 {dimension_numbers = #tpu.dot_dimension_numbers<[1], [0], [0], [1], [0, 0, 1, 1], [], []>, transpose_lhs_hint = false} : vector<8000x144xbf16>, vector<144x96xbf16>, vector<8000x96xf32> -> vector<8000x96xf32>
    %add3A_629 = arith.addf %add3A_622, %dot_general3A_628 : vector<8000x96xf32>
    %reshape3A_630 = vector.shape_cast %add3A_629 : vector<8000x96xf32> to vector<500x16x96xf32>
    %broadcast_in_dim3A_631 = vector.shape_cast %get3A_599 : vector<1x96xf32> to vector<1x1x96xf32>
    %add3A_632 = vector.broadcast %broadcast_in_dim3A_631 : vector<1x1x96xf32> to vector<500x16x96xf32>
    %add3A_633 = arith.addf %reshape3A_630, %add3A_632 : vector<500x16x96xf32>
    %convert_element_type3A_634 = arith.truncf %add3A_633 : vector<500x16x96xf32> to vector<500x16x96xbf16>
    %ge3A_635 = arith.constant 0.000000e+00 : bf16
    %ge3A_636 = vector.broadcast %ge3A_635 : bf16 to vector<500x16x96xbf16>
    %ge3A_637 = arith.cmpf oge, %convert_element_type3A_634, %ge3A_636 : vector<500x16x96xbf16>
    %mul3A_638 = arith.constant 1.000980e-02 : bf16
    %mul3A_639 = vector.broadcast %mul3A_638 : bf16 to vector<500x16x96xbf16>
    %mul3A_640 = arith.mulf %mul3A_639, %convert_element_type3A_634 : vector<500x16x96xbf16>
    %select_n3A_641 = arith.select %ge3A_637, %convert_element_type3A_634, %mul3A_640 : vector<500x16x96xi1>, vector<500x16x96xbf16>
    %swap3A_642 = arith.constant 0 : index
    %swap3A_643 = arith.constant 0 : index
    %swap3A_644 = arith.constant 0 : index
    %swap3A_645 = arith.constant 0 : index
    %swap3A_646 = vector.load %arg25[%swap3A_642, %swap3A_643, %swap3A_644, %swap3A_645] : memref<1x500x16x96xbf16, #tpu.memory_space<vmem>>, vector<1x500x16x96xbf16>
    %swap3A_647 = vector.shape_cast %swap3A_646 : vector<1x500x16x96xbf16> to vector<500x16x96xbf16>
    %swap3A_648 = vector.shape_cast %select_n3A_641 : vector<500x16x96xbf16> to vector<1x500x16x96xbf16>
    tpu.vector_store %arg25[%swap3A_642, %swap3A_643, %swap3A_644, %swap3A_645], %swap3A_648 {strides = array<i32>} : memref<1x500x16x96xbf16, #tpu.memory_space<vmem>>, vector<1x500x16x96xbf16>,
    return
  }
  func.func @transform_0(%arg0: i32) -> (i32, i32, i32, i32) {
    %c0_i32 = arith.constant 0 : i32
    %c0_i32_0 = arith.constant 0 : i32
    %c0_i32_1 = arith.constant 0 : i32
    %c0_i32_2 = arith.constant 0 : i32
    return %arg0, %c0_i32, %c0_i32_0, %c0_i32_1 : i32, i32, i32, i32
  }
  func.func @transform_1(%arg0: i32) -> (i32, i32, i32, i32) {
    %c0_i32 = arith.constant 0 : i32
    %c0_i32_0 = arith.constant 0 : i32
    %c0_i32_1 = arith.constant 0 : i32
    %c0_i32_2 = arith.constant 0 : i32
    return %arg0, %c0_i32, %c0_i32_0, %c0_i32_1 : i32, i32, i32, i32
  }
  func.func @transform_2(%arg0: i32) -> (i32, i32, i32) {
    %c0_i32 = arith.constant 0 : i32
    %c0_i32_0 = arith.constant 0 : i32
    %c0_i32_1 = arith.constant 0 : i32
    %c0_i32_2 = arith.constant 0 : i32
    return %c0_i32, %c0_i32_0, %c0_i32_1 : i32, i32, i32
  }
  func.func @transform_3(%arg0: i32) -> (i32, i32) {
    %c0_i32 = arith.constant 0 : i32
    %c0_i32_0 = arith.constant 0 : i32
    %c0_i32_1 = arith.constant 0 : i32
    return %c0_i32, %c0_i32_0 : i32, i32
  }
  func.func @transform_4(%arg0: i32) -> (i32, i32, i32) {
    %c0_i32 = arith.constant 0 : i32
    %c0_i32_0 = arith.constant 0 : i32
    %c0_i32_1 = arith.constant 0 : i32
    %c0_i32_2 = arith.constant 0 : i32
    return %c0_i32, %c0_i32_0, %c0_i32_1 : i32, i32, i32
  }
  func.func @transform_5(%arg0: i32) -> (i32, i32) {
    %c0_i32 = arith.constant 0 : i32
    %c0_i32_0 = arith.constant 0 : i32
    %c0_i32_1 = arith.constant 0 : i32
    return %c0_i32, %c0_i32_0 : i32, i32
  }
  func.func @transform_6(%arg0: i32) -> (i32, i32, i32) {
    %c0_i32 = arith.constant 0 : i32
    %c0_i32_0 = arith.constant 0 : i32
    %c0_i32_1 = arith.constant 0 : i32
    %c0_i32_2 = arith.constant 0 : i32
    return %c0_i32, %c0_i32_0, %c0_i32_1 : i32, i32, i32
  }
  func.func @transform_7(%arg0: i32) -> (i32, i32) {
    %c0_i32 = arith.constant 0 : i32
    %c0_i32_0 = arith.constant 0 : i32
    %c0_i32_1 = arith.constant 0 : i32
    return %c0_i32, %c0_i32_0 : i32, i32
  }
  func.func @transform_8(%arg0: i32) -> (i32, i32) {
    %c0_i32 = arith.constant 0 : i32
    %c0_i32_0 = arith.constant 0 : i32
    %c0_i32_1 = arith.constant 0 : i32
    return %c0_i32, %c0_i32_0 : i32, i32
  }
  func.func @transform_9(%arg0: i32) -> (i32, i32) {
    %c0_i32 = arith.constant 0 : i32
    %c0_i32_0 = arith.constant 0 : i32
    %c0_i32_1 = arith.constant 0 : i32
    return %c0_i32, %c0_i32_0 : i32, i32
  }
  func.func @transform_10(%arg0: i32) -> (i32, i32) {
    %c0_i32 = arith.constant 0 : i32
    %c0_i32_0 = arith.constant 0 : i32
    %c0_i32_1 = arith.constant 0 : i32
    return %c0_i32, %c0_i32_0 : i32, i32
  }
  func.func @transform_11(%arg0: i32) -> (i32, i32) {
    %c0_i32 = arith.constant 0 : i32
    %c0_i32_0 = arith.constant 0 : i32
    %c0_i32_1 = arith.constant 0 : i32
    return %c0_i32, %c0_i32_0 : i32, i32
  }
  func.func @transform_12(%arg0: i32) -> (i32, i32, i32) {
    %c0_i32 = arith.constant 0 : i32
    %c0_i32_0 = arith.constant 0 : i32
    %c0_i32_1 = arith.constant 0 : i32
    %c0_i32_2 = arith.constant 0 : i32
    return %c0_i32, %c0_i32_0, %c0_i32_1 : i32, i32, i32
  }
  func.func @transform_13(%arg0: i32) -> (i32, i32) {
    %c0_i32 = arith.constant 0 : i32
    %c0_i32_0 = arith.constant 0 : i32
    %c0_i32_1 = arith.constant 0 : i32
    return %c0_i32, %c0_i32_0 : i32, i32
  }
  func.func @transform_14(%arg0: i32) -> (i32, i32, i32) {
    %c0_i32 = arith.constant 0 : i32
    %c0_i32_0 = arith.constant 0 : i32
    %c0_i32_1 = arith.constant 0 : i32
    %c0_i32_2 = arith.constant 0 : i32
    return %c0_i32, %c0_i32_0, %c0_i32_1 : i32, i32, i32
  }
  func.func @transform_15(%arg0: i32) -> (i32, i32) {
    %c0_i32 = arith.constant 0 : i32
    %c0_i32_0 = arith.constant 0 : i32
    %c0_i32_1 = arith.constant 0 : i32
    return %c0_i32, %c0_i32_0 : i32, i32
  }
  func.func @transform_16(%arg0: i32) -> (i32, i32, i32) {
    %c0_i32 = arith.constant 0 : i32
    %c0_i32_0 = arith.constant 0 : i32
    %c0_i32_1 = arith.constant 0 : i32
    %c0_i32_2 = arith.constant 0 : i32
    return %c0_i32, %c0_i32_0, %c0_i32_1 : i32, i32, i32
  }
  func.func @transform_17(%arg0: i32) -> (i32, i32) {
    %c0_i32 = arith.constant 0 : i32
    %c0_i32_0 = arith.constant 0 : i32
    %c0_i32_1 = arith.constant 0 : i32
    return %c0_i32, %c0_i32_0 : i32, i32
  }
  func.func @transform_18(%arg0: i32) -> (i32, i32, i32) {
    %c0_i32 = arith.constant 0 : i32
    %c0_i32_0 = arith.constant 0 : i32
    %c0_i32_1 = arith.constant 0 : i32
    %c0_i32_2 = arith.constant 0 : i32
    return %c0_i32, %c0_i32_0, %c0_i32_1 : i32, i32, i32
  }
  func.func @transform_19(%arg0: i32) -> (i32, i32) {
    %c0_i32 = arith.constant 0 : i32
    %c0_i32_0 = arith.constant 0 : i32
    %c0_i32_1 = arith.constant 0 : i32
    return %c0_i32, %c0_i32_0 : i32, i32
  }
  func.func @transform_20(%arg0: i32) -> (i32, i32, i32) {
    %c0_i32 = arith.constant 0 : i32
    %c0_i32_0 = arith.constant 0 : i32
    %c0_i32_1 = arith.constant 0 : i32
    %c0_i32_2 = arith.constant 0 : i32
    return %c0_i32, %c0_i32_0, %c0_i32_1 : i32, i32, i32
  }
  func.func @transform_21(%arg0: i32) -> (i32, i32) {
    %c0_i32 = arith.constant 0 : i32
    %c0_i32_0 = arith.constant 0 : i32
    %c0_i32_1 = arith.constant 0 : i32
    return %c0_i32, %c0_i32_0 : i32, i32
  }
  func.func @transform_22(%arg0: i32) -> (i32, i32, i32) {
    %c0_i32 = arith.constant 0 : i32
    %c0_i32_0 = arith.constant 0 : i32
    %c0_i32_1 = arith.constant 0 : i32
    %c0_i32_2 = arith.constant 0 : i32
    return %c0_i32, %c0_i32_0, %c0_i32_1 : i32, i32, i32
  }
  func.func @transform_23(%arg0: i32) -> (i32, i32) {
    %c0_i32 = arith.constant 0 : i32
    %c0_i32_0 = arith.constant 0 : i32
    %c0_i32_1 = arith.constant 0 : i32
    return %c0_i32, %c0_i32_0 : i32, i32
  }
  func.func @transform_24(%arg0: i32) -> (i32, i32, i32, i32) {
    %c0_i32 = arith.constant 0 : i32
    %c0_i32_0 = arith.constant 0 : i32
    %c0_i32_1 = arith.constant 0 : i32
    %c0_i32_2 = arith.constant 0 : i32
    return %arg0, %c0_i32, %c0_i32_0, %c0_i32_1 : i32, i32, i32, i32
  }
  func.func @transform_25(%arg0: i32) -> (i32, i32, i32, i32) {
    %c0_i32 = arith.constant 0 : i32
    %c0_i32_0 = arith.constant 0 : i32
    %c0_i32_1 = arith.constant 0 : i32
    %c0_i32_2 = arith.constant 0 : i32
    return %arg0, %c0_i32, %c0_i32_0, %c0_i32_1 : i32, i32, i32, i32
  }
  func.func @transform_26(%arg0: i32) -> (i32, i32, i32, i32) {
    %c0_i32 = arith.constant 0 : i32
    %c0_i32_0 = arith.constant 0 : i32
    %c0_i32_1 = arith.constant 0 : i32
    %c0_i32_2 = arith.constant 0 : i32
    return %arg0, %c0_i32, %c0_i32_0, %c0_i32_1 : i32, i32, i32, i32
  }
  func.func @transform_27(%arg0: i32) -> (i32, i32, i32, i32) {
    %c0_i32 = arith.constant 0 : i32
    %c0_i32_0 = arith.constant 0 : i32
    %c0_i32_1 = arith.constant 0 : i32
    %c0_i32_2 = arith.constant 0 : i32
    return %arg0, %c0_i32, %c0_i32_0, %c0_i32_1 : i32, i32, i32, i32
  }
}

</mosaic_0001>

<sc_bundles>
// kernel: sparse-core-data-format-call.cloned.1.call-start
scs
called_computation_lowered:
.L_overlay_start_0:
0x0: {  	s2 =	sld [smem:$0x3FD9]  }
0x1: {  	s3 =	sld [smem:$0x3FFE];
	_ =	sdelay $0x1  }
0x2: {  	s1 =	srdreg.scid  }
0x3: {  	s0 =	sand.u32 $0x1, s1  }
0x4: {  	s15 =	sshll.u32 s0, $0xA;
	s2 =	sadd.s32 s3, s2  }
0x5: {  	s2 =	sadd.s32 s2, s15  }
0x6: {  	[smem:$0x3FAF] =	sst s2  }
0x7: {  	_ = 	snop  }
0x8: {  	s2 =	sld [smem:$0x3FD0];
	_ =	sdelay $0x2  }
0x9: {  	s16 =	simm.s32 $0xA;
	s4 =	simm.s32 $0x10  }
0xa: {  	[smem:s4], [sflag:s16] =	dma.local [hbm:s2], $0x1  }
0xb: {  	_ =	swait.eq [sflag:s16], $0x1  }
0xc: {  	[sflag:s16] =	ssyncset.done $0x0  }
0xd: {  	[sflag:s16] =	ssyncadd.s32 $0xFFFFFFFF  }
0xe: {  	s17 =	sld [smem:$0x10];
	(tm) =	ssettm $0x1  }
0xf: {  	s18 =	sld [smem:$0x3FFB];
	_ =	sdelay $0x3  }
0x10: {  	_ =	strace s18  }
0x11: {  	s3 =	sld [smem:$0x3FFC];
	_ =	sdelay $0x3  }
0x12: {  	_ =	strace s3  }
0x13: {  	s3 =	sld [smem:$0x3FFD];
	_ =	sdelay $0x3  }
0x14: {  	_ =	strace s3  }
0x15: {  	_ =	strace $0x8FFFFFFF  }
0x16: {  	s19 =	sld [smem:$0x3FDB];
	_ =	sdelay $0x1  }
0x17: {  	s20 =	simm.s32 $_scs_section_size  }
0x18: {  	s5 =	simm.s32 $_size__tile_overlayer_lowered;
	s6 =	simm.s32 $_tile_overlayer_lowered  }
0x19: {  	s23 =	simm.s32 $0x1BFF;
	s22 =	sshll.u32 s6, $0x1;
	s3 =	sadd.s32 s20, s19  }
0x1a: {  	s7 =	simm.s32 $0x0;
	s21 =	sshll.u32 s5, $0x1;
	s5 =	sadd.s32 s22, s3  }
0x1b: {  	[timem:s7], [sflag:s23] =	dma.local [hbm:s5], s21  }
0x1c: {  	_ =	swait.ge [sflag:s23], s21  }
0x1d: {  	s4 =	ssub.s32 $0x0, s21;
	[sflag:s23] =	ssyncset.done $0x0  }
0x1e: {  	[sflag:s23] =	ssyncadd.s32 s4;
	_ =	sdelay $0x1  }
0x1f: {  	s24 =	simm.s32 $0x1B8B  }
0x20: {  	_ =	swait.ge [sflag:s24], $0x1  }
0x21: {  	[sflag:s24] =	ssyncset.done $0x0  }
0x22: {  	s26 =	simm.s32 $0x1B8E;
	s25 =	sld [smem:$0x3FFE];
	[sflag:s24] =	ssyncadd.s32 $0xFFFFFFFF  }
0x23: {  	s27 =	simm.s32 $execute0_lowered;
	[smem:$0x3FD2] =	sst s26  }
0x24: {  	s5 =	sshll.u32 s27, $0x1;
	_ =	strace $0x80000046;
	[dreg:$0x1] =	wrdreg $0xFFFFFFFF  }
0x25: {  	s28 =	simm.s32 $_size_execute0_lowered;
	s3 =	sadd.s32 s3, s5;
	[dreg:$0x0] =	wrdreg $0x0  }
0x26: {  	s5 =	sshll.u32 s28, $0x1;
	[dreg:$0x2] =	wrdreg s3  }
0x27: {  	[dreg:$0x3] =	wrdreg s5  }
0x28: {  	[dreg:$0x4] =	wrdreg $0xC0  }
0x29: {  	_ =	task [dreg:s7], $0x5FFFF  }
0x2a: {  	[dreg:$0x1] =	wrdreg $0xFFFFFFFF  }
0x2b: {  	[dreg:$0x0] =	wrdreg $0x60  }
0x2c: {  	[dreg:$0x2] =	wrdreg s25  }
0x2d: {  	[dreg:$0x3] =	wrdreg s17  }
0x2e: {  	[dreg:$0x4] =	wrdreg $0x9  }
0x2f: {  	_ =	task.clear_ibuf [dreg:s7], $0x5FFFF;
	_ =	strace $0x90000046  }
0x30: {  	s29 =	simm.s32 $0x9;
	_ =	strace $0x80000048  }
0x31: {  	_ =	swait.ge [sflag:s29], $0x1  }
0x32: {  	[sflag:s29] =	ssyncadd.s32 $0xFFFFFFFF  }
0x33: {  	_ =	strace $0x90000048  }
0x34: {  	_ =	sfence  }
0x35: {  	s30 =	sld [smem:$0x0];
	_ =	sdelay $0x2  }
0x36: {  	s31 =	sshll.u32 s1, $0xD;
	s1 =	sshrl.u32 s1, $0x2  }
0x37: {  	s3 =	sand.u32 $0x4000, s31;
	s1 =	sadd.s32 s1, s30  }
0x38: {  	s0 =	sor.u32 s3, s0;
	s1 =	sshll.u32 s1, $0x11  }
0x39: {  	s0 =	sor.u32 s1, s0  }
0x3a: {  	s0 =	sadd.s32 $0x8F2B, s0  }
0x3b: {  	[sflag:s0] =	ssyncadd.remote.s32 $0x1  }
0x3c: {  	_ =	sfence.sel $0xFFFF  }
0x3d: {  	[dreg:$0x0] =	wrdreg $0xFFFFFFFF;
	(pc) =	sbr.abs _section_cstart, $3  }
0x3e: {  	[dreg:$0x1] =	wrdreg $0xFFFFFFFF  }
0x3f: {  	_ =	task.clear_ibuf [dreg:s7], $0x2FFFF;
	_ =	strace $0x9FFFFFFF  }
0x40: {  	(tm) =	ssettm $0x7FFFFFFF  }
0x41: {  	_ =	shalt  }
tec
execute0_lowered:
.L_overlay_start_1:
0x0: {  	(tag) =	ssettag $0x1  }
0x1: {  	s4 =	rddreg [dreg:$0x0]  }
0x2: {  	s0 =	stileid.u32;
	s2 =	rddreg [dreg:$0x1]  }
0x3: {  	_ =	strace $0x80000047;
	s6 =	srdreg.scid;
	s31 =	simm.s32 $0x2  }
0x4: {  	s21 =	simm.s32 $0x0;
	p0 =	por $0x0, $0x0;
	s9 =	simm.s32 $0x1000  }
0x5: {  	s19 =	simm.s32 $0x0;
	s22 =	simm.s32 $0x0;
	s20 =	simm.s32 $0x0  }
0x6: {  	s10 =	simm.s32 $0x0;
	s12 =	simm.s32 $0x0;
	s1 =	sshll.u32 s0, $0x7  }
0x7: {  	s13 =	simm.s32 $0x0;
	s14 =	simm.s32 $0x0;
	s3 =	sand.u32 $0x80, s1  }
0x8: {  	s16 =	simm.s32 $0x0;
	s18 =	simm.s32 $0x0;
	s5 =	ssub.s32 $0x100, s3  }
0x9: {  	s6 =	sshll.u32 s6, $0x4;
	s4 =	sadd.s32 $0x4A00, s4;
	s7 =	sshrl.u32 s5, $0x7  }
.Ltmp0:
0xa: {  	s5 =	sshrl.u32 s5, $0x8;
	s7 =	sand.u32 $0x1, s7;
	(pc) =	sbr.rel .LBB1_1-.Ltmp0, $4  }
0xb: {  	s6 =	sand.u32 $0x10, s6;
	s1 =	simm.s32 $0x0;
	s7 =	sadd.s32 s5, s7  }
0xc: {  	s8 =	sor.u32 s0, s6;
	s5 =	simm.s32 $0x1;
	s6 =	smul.u32 $0x18, s7  }
0xd: {  	s17 =	smov.u32 s3;
	s7 =	sshrl.u32 s8, $0x1;
	[sflag:s5] =	ssyncpa.u1 $0x0  }
0xe: {  	[sflag:s31] =	ssyncpa.u1 $0x0;
	s15 =	smov.u32 s7;
	s8 =	sor.u32 $0x1, s6  }
.LBB1_4:
0xf: {  	s27 =	sshra.s32 s27, $0x2;
	s28 =	sshll.u32 s1, $0x8;
	s31 =	sshll.u32 s13, $0x3  }
0x10: {  	p1 =	sgt.s32 s12, $0x5;
	s29 =	smov.u32 s12;
	s30 =	sshra.s32 s12, $0x1F  }
0x11: {  	p2 =	sgt.s32 s13, $0x80;
	s26 =	sadd.s32 s27, s26;
	s11 =	sand.u32 $0x800, s28  }
0x12: {  	s28 =	sand.u32 $0xC00, s31;
	s31 =	sshll.u32 s1, $0x7;
	s29 =	simm.s32 @!p1 $0x5  }
0x13: {  	s30 =	sand.u32 s30, s12;
	s27 =	sadd.s32 s28, s11;
	s0 =	sand.u32 $0x300, s31  }
0x14: {  	s29 =	ssub.s32 s29, s30;
	s30 =	smov.u32 s13;
	s28 =	sshra.s32 s13, $0x1F  }
0x15: {  	s27 =	sor.u32 s0, s27;
	s11 =	sadd.s32 $0xFFFFFFFB, s29;
	s30 =	simm.s32 @!p2 $0x80  }
0x16: {  	p2 =	sgt.s32 s1, $0xF;
	s0 =	sshra.s32 s1, $0x1F;
	s28 =	sand.u32 s28, s13  }
0x17: {  	s29 =	ssub.s32 $0x6, s29;
	p1 =	sgt.s32 s11, $0x0;
	s11 =	smov.u32 s1  }
0x18: {  	s28 =	ssub.s32 s30, s28;
	s0 =	sand.u32 s0, s1;
	s27 =	sshrl.u32 s27, $0x3  }
0x19: {  	s11 =	simm.s32 @!p2 $0xF;
	s30 =	sadd.s32 $0xFFFFFF80, s28;
	s29 =	simm.s32 @p1 $0x0  }
0x1a: {  	v5 =	vld [tilespmem:s24+$0xFFFFFFD0];
	[tilespmem:s25+$0x2040 ss:$0x81] =	vst.msk $0xffff, v4;
	p2 =	sgt.s32 s10, $0x174;
	s0 =	ssub.s32 s11, s0;
	p1 =	sgt.s32 s30, $0x7F  }
0x1b: {  	v58 =	vld [tilespmem:s24+$0xFFFFFFE0];
	[tilespmem:s25+$0x2850 ss:$0x81] =	vst.msk $0xffff, v3;
	s11 =	ssub.s32 $0x100, s28;
	s28 =	smov.u32 s10;
	s30 =	sadd.s32 $0xFFFFFFF1, s0  }
0x1c: {  	v59 =	vld [tilespmem:s24+$0xFFFFFFF0];
	[tilespmem:s25+$0x3060 ss:$0x81] =	vst.msk $0xffff, v2;
	s11 =	simm.s32 @p1 $0x0;
	s28 =	simm.s32 @!p2 $0x174;
	s0 =	ssub.s32 $0x10, s0  }
0x1d: {  	[tilespmem:s25+$0x0 ss:$0x81] =	vst.msk $0xffff, v1;
	v60 =	vld [tilespmem:s24+$0x0];
	p1 =	sgt.s32 s30, $0x0;
	s11 =	smul.u32 s11, s29;
	s30 =	sshra.s32 s10, $0x1F  }
0x1e: {  	v61 =	vld [tilespmem:s24+$0x10];
	[tilespmem:s26+$0x3870 ss:$0x81] =	vst.msk $0xffff, v0;
	s29 =	sand.u32 s30, s10;
	s0 =	simm.s32 @p1 $0x0;
	s30 =	sand.u32 $0x80, s31  }
0x1f: {  	v62 =	vld [tilespmem:s24+$0x20];
	[tilespmem:s26+$0x810 ss:$0x81] =	vst.msk $0xffff, v5;
	s25 =	ssub.s32 s28, s29;
	s28 =	sand.u32 $0x78, s13;
	s0 =	smul.u32 s0, s11  }
0x20: {  	v63 =	vld [tilespmem:s24+$0xFFFFFFC0];
	[tilespmem:s26+$0x1020 ss:$0x81] =	vst.msk $0xffff, v58;
	s31 =	sadd.s32 $0xFFFFFE8C, s25;
	s11 =	ssub.s32 $0x1F4, s25;
	s25 =	smul.u32 $0x3E800, s12  }
0x21: {  	[tilespmem:s26+$0x1830 ss:$0x81] =	vst.msk $0xffff, v59;
	s29 =	sor.u32 s28, s30;
	s30 =	sshll.u32 s10, $0x9;
	p1 =	sgt.s32 s31, $0x7F  }
0x22: {  	[tilespmem:s26+$0x2040 ss:$0x81] =	vst.msk $0xffff, v60;
	s31 =	sand.u32 $0x7, s13;
	s11 =	simm.s32 @p1 $0x0;
	s24 =	sadd.s32 s2, s25  }
0x23: {  	[tilespmem:s26+$0x2850 ss:$0x81] =	vst.msk $0xffff, v61;
	s25 =	sshrl.u32 s29, $0x3;
	s0 =	smul.u32 s11, s0;
	s11 =	sadd.s32 s30, s24  }
0x24: {  	[tilespmem:s26+$0x3060 ss:$0x81] =	vst.msk $0xffff, v62;
	s27 =	sand.u32 $0x1E0, s27;
	s24 =	sshll.u32 s31, $0x12;
	s11 =	sadd.s32 s25, s11  }
0x25: {  	[tilespmem:s26+$0x0 ss:$0x81] =	vst.msk $0xffff, v63;
	s24 =	sor.u32 $0x80, s24;
	s0 =	sand.u32 $0x3FFFFFFF, s0;
	s11 =	sadd.s32 s27, s11  }
0x26: {  	[hbm4b:s11+s24] =	stream.strided.scatter [tilespmem:s23], [sflag:$0x2], s0, s9, s24, $0x20;
	[tilespmem:$0x10100] =	vst v63  }
.LBB1_5:
0x27: {  	p1 =	slt.u32 s18, $0x2;
	s0 =	smov.u32 s22  }
0x28: {  	s24 =	smov.u32 s15;
	s25 =	smov.u32 s17;
	p2 =	sgt.s32 @!p1 s22, $0x5  }
0x29: {  	p0 =	por !p0, !p0;
	s11 =	sshra.s32 @!p1 s22, $0x1F;
	p2 =	por !p2, p1  }
0x2a: {  	p3 =	sgt.s32 @!p1 s21, $0x174;
	s11 =	sand.u32 @!p1 s11, s22;
	s0 =	simm.s32 @p2 $0x5  }
0x2b: {  	s23 =	sshra.s32 @!p1 s20, $0x1F;
	p3 =	por !p3, p1;
	s0 =	ssub.s32 @!p1 s0, s11  }
0x2c: {  	s22 =	sshra.s32 @!p1 s21, $0x1F;
	s11 =	sadd.s32 @!p1 $0xFFFFFFFB, s0;
	s0 =	ssub.s32 @!p1 $0x6, s0  }
0x2d: {  	p2 =	sgt.s32 @!p1 s11, $0x0;
	s11 =	smov.u32 s21;
	s21 =	sand.u32 @!p1 s22, s21  }
0x2e: {  	s22 =	smov.u32 s19;
	p2 =	por !p2, p1;
	s11 =	simm.s32 @p3 $0x174  }
0x2f: {  	p3 =	sgt.s32 @!p1 s20, $0x80;
	s0 =	simm.s32 @!p2 $0x0;
	s11 =	ssub.s32 @!p1 s11, s21  }
0x30: {  	p2 =	sgt.s32 @!p1 s19, $0xF;
	s21 =	sshra.s32 @!p1 s19, $0x1F;
	p3 =	por !p3, p1  }
0x31: {  	p2 =	por !p2, p1;
	s19 =	sand.u32 @!p1 s21, s19;
	s21 =	smov.u32 s20  }
0x32: {  	s20 =	sand.u32 @!p1 s23, s20;
	s22 =	simm.s32 @p2 $0xF;
	s21 =	simm.s32 @p3 $0x80  }
0x33: {  	s19 =	ssub.s32 @!p1 s22, s19;
	s22 =	sadd.s32 @!p1 $0xFFFFFE8C, s11;
	s20 =	ssub.s32 @!p1 s21, s20  }
0x34: {  	s23 =	sadd.s32 $0x80, s14;
	p2 =	sgt.s32 @!p1 s22, $0x7F;
	s22 =	sadd.s32 @!p1 $0xFFFFFF80, s20  }
0x35: {  	s11 =	ssub.s32 @!p1 $0x1F4, s11;
	s21 =	sadd.s32 @!p1 $0xFFFFFFF1, s19;
	p4 =	sgt.s32 @!p1 s22, $0x7F  }
0x36: {  	s20 =	ssub.s32 @!p1 $0x100, s20;
	p3 =	sgt.s32 @!p1 s21, $0x0;
	p4 =	por !p4, p1  }
0x37: {  	s19 =	ssub.s32 @!p1 $0x10, s19;
	p3 =	por !p3, p1;
	s20 =	simm.s32 @!p4 $0x0  }
0x38: {  	p4 =	sgt.s32 s23, $0x1F3;
	s0 =	smul.u32 @!p1 s20, s0;
	s20 =	sadd.s32 $0x10, s15  }
0x39: {  	p2 =	por !p2, p1;
	s19 =	simm.s32 @!p3 $0x0;
	s24 =	smov.u32 @p4 s20  }
0x3a: {  	s0 =	smul.u32 @!p1 s19, s0;
	p3 =	sgt.s32 s24, $0xF;
	s19 =	simm.s32 $0x1  }
0x3b: {  	s26 =	simm.s32 @!p1 $0x2;
	s11 =	simm.s32 @!p2 $0x0;
	s19 =	simm.s32 @!p3 $0x0  }
0x3c: {  	s21 =	smov.u32 s10;
	s0 =	smul.u32 @!p1 s11, s0;
	s11 =	sadd.s32 s19, s16  }
0x3d: {  	s22 =	smov.u32 s12;
	s19 =	sadd.s32 $0x100, s17;
	p2 =	sgt.s32 s11, $0x5  }
0x3e: {  	s10 =	smov.u32 s14;
	s12 =	smov.u32 s16;
	s25 =	smov.u32 @p2 s19  }
0x3f: {  	s23 =	simm.s32 @p4 $0x0;
	s11 =	simm.s32 @p2 $0x0;
	p2 =	sgt.s32 s25, $0xFF  }
0x40: {  	s20 =	smov.u32 s13;
	s25 =	smov.u32 @p2 s3;
	p2 =	sne.s32 s18, s8  }
.Ltmp1:
0x41: {  	s13 =	smov.u32 s17;
	s14 =	smov.u32 s23;
	(pc) =	sbr.rel @!p2 .LBB1_6-.Ltmp1, $4  }
0x42: {  	s24 =	smov.u32 @p3 s7;
	s0 =	sand.u32 @!p1 $0x3FFFFFFF, s0;
	s19 =	smov.u32 s1  }
0x43: {  	s1 =	smov.u32 s15;
	s15 =	smov.u32 s24;
	_ =	swait.ge @!p1 [sflag:s26], s0  }
0x44: {  	s0 =	ssub.s32 @!p1 $0x0, s0;
	s16 =	smov.u32 s11;
	[sflag:s26] =	ssyncset.done @!p1 $0x0  }
0x45: {  	s18 =	sadd.s32 $0x1, s18;
	[sflag:s26] =	ssyncadd.s32 @!p1 s0;
	s17 =	smov.u32 s25  }
.LBB1_1:
0x46: {  	p1 =	sge.u32 s18, s6;
	s31 =	sadd.s32 $0xFFFFFFFF, s18  }
0x47: {  	s23 =	sxor.u32 @!p1 $0xFFFFFFFF, s18;
	s24 =	sshll.u32 @!p1 s15, $0x9;
	s25 =	sshll.u32 @!p1 s14, $0x3  }
0x48: {  	s26 =	sand.u32 @!p1 $0x78, s14;
	s24 =	sand.u32 @!p1 $0x1000, s24;
	s25 =	sand.u32 @!p1 $0x1C00, s25  }
0x49: {  	s28 =	smul.u32 @!p1 $0x1800, s17;
	s24 =	sadd.s32 @!p1 s24, s25;
	s25 =	sshll.u32 @!p1 s15, $0x7  }
0x4a: {  	s23 =	sshll.u32 @!p1 s23, $0xE;
	s27 =	sand.u32 @!p1 $0x200, s25;
	s25 =	sand.u32 @!p1 $0x180, s25  }
0x4b: {  	s23 =	sand.u32 @!p1 $0x4000, s23;
	s24 =	sor.u32 @!p1 s27, s24;
	s25 =	sor.u32 @!p1 s26, s25  }
0x4c: {  	s26 =	sshll.u32 @!p1 s16, $0xA;
	s27 =	sadd.s32 @!p1 s4, s28;
	s24 =	sshrl.u32 @!p1 s24, $0x3  }
0x4d: {  	s25 =	sshrl.u32 @!p1 s25, $0x3;
	s26 =	sadd.s32 @!p1 s26, s27;
	s27 =	sand.u32 @!p1 $0x7, s14  }
0x4e: {  	s24 =	sand.u32 @!p1 $0x3C0, s24;
	s25 =	sadd.s32 @!p1 s25, s26;
	s26 =	sshll.u32 @!p1 s27, $0x12  }
0x4f: {  	s24 =	sadd.s32 @!p1 s24, s25;
	s25 =	sor.u32 @!p1 $0x80, s26;
	s26 =	simm.s32 @!p1 $0xC000  }
0x50: {  	[tilespmem:s23], [sflag:$0x1] =	stream.strided.gather @!p1 [hbm4b:s24+s25], $0x4000, s26, s25, $0x38;
	[tilespmem:$0x10100] =	vst v63  }
0x51: {  	p1 =	sge.u32 s31, s6  }
.Ltmp2:
0x52: {  	_ = 	snop;
	(pc) =	sbr.rel @p1 .LBB1_5-.Ltmp2, $1  }
0x53: {  	_ =	sdelay $0x3  }
0x54: {  	s23 =	simm.s32 $0x1  }
0x55: {  	_ =	swait.ge [sflag:s5], $0x4000;
	s23 =	simm.s32 @!p0 $0x0  }
0x56: {  	[sflag:s5] =	ssyncset.done $0x0;
	s24 =	sshll.u32 s23, $0xE  }
0x57: {  	[sflag:s5] =	ssyncadd.s32 $0xFFFFC000;
	s24 =	sor.u32 $0x40, s24  }
0x58: {  	s23 =	smul.u32 $0x10200, s23;
	v0 =	vld [tilespmem:s24+$0x30]  }
0x59: {  	v1 =	vld [tilespmem:s24+$0xFFFFFFD0]  }
0x5a: {  	s23 =	sshrl.u32 s23, $0x2;
	v5 =	vld [tilespmem:s24+$0xFFFFFFE0]  }
0x5b: {  	v6 =	vld [tilespmem:s24+$0xFFFFFFF0];
	s26 =	sor.u32 $0x8000, s23  }
0x5c: {  	s31 =	sand.u32 $0x1, s18;
	v4 =	vld [tilespmem:s24+$0x0];
	s25 =	sadd.s32 $0x0, s26  }
0x5d: {  	v3 =	vld [tilespmem:s24+$0x10];
	s23 =	smul.u32 $0x10200, s31;
	[tilespmem:s25+$0x3870 ss:$0x81] =	vst.msk $0xffff, v0  }
0x5e: {  	v2 =	vld [tilespmem:s24+$0x20];
	[tilespmem:s25+$0x810 ss:$0x81] =	vst.msk $0xffff, v1  }
0x5f: {  	s23 =	sshrl.u32 s23, $0x2;
	v1 =	vld [tilespmem:s24+$0xFFFFFFC0];
	[tilespmem:s25+$0x1020 ss:$0x81] =	vst.msk $0xffff, v5;
	s24 =	sadd.s32 $0x80, s24  }
0x60: {  	s27 =	simm.s32 $0x4;
	s28 =	simm.s32 $0x8;
	s23 =	sor.u32 $0x8000, s23;
	[tilespmem:s25+$0x1830 ss:$0x81] =	vst.msk $0xffff, v6;
	v0 =	vld [tilespmem:s24+$0x30]  }
.LBB1_3:
0x61: {  	p1 =	sne.s32 s28, $0x1FC;
	v5 =	vld [tilespmem:s24+$0xFFFFFFD0];
	[tilespmem:s25+$0x2040 ss:$0x81] =	vst.msk $0xffff, v4  }
0x62: {  	v6 =	vld [tilespmem:s24+$0xFFFFFFE0];
	[tilespmem:s25+$0x2850 ss:$0x81] =	vst.msk $0xffff, v3  }
0x63: {  	s29 =	sshra.s32 s27, $0x2;
	s27 =	smov.u32 s28;
	v7 =	vld [tilespmem:s24+$0xFFFFFFF0];
	[tilespmem:s25+$0x3060 ss:$0x81] =	vst.msk $0xffff, v2  }
.Ltmp3:
0x64: {  	v4 =	vld [tilespmem:s24+$0x0];
	[tilespmem:s25+$0x0 ss:$0x81] =	vst.msk $0xffff, v1;
	s25 =	sadd.s32 s29, s26;
	(pc) =	sbr.rel @p1 .LBB1_3-.Ltmp3, $4  }
0x65: {  	v3 =	vld [tilespmem:s24+$0x10];
	[tilespmem:s25+$0x3870 ss:$0x81] =	vst.msk $0xffff, v0  }
0x66: {  	[tilespmem:s25+$0x810 ss:$0x81] =	vst.msk $0xffff, v5;
	v2 =	vld [tilespmem:s24+$0x20]  }
0x67: {  	v1 =	vld [tilespmem:s24+$0xFFFFFFC0];
	[tilespmem:s25+$0x1020 ss:$0x81] =	vst.msk $0xffff, v6;
	s24 =	sadd.s32 $0x80, s24  }
0x68: {  	s28 =	sadd.s32 $0x4, s28;
	v0 =	vld [tilespmem:s24+$0x30];
	[tilespmem:s25+$0x1830 ss:$0x81] =	vst.msk $0xffff, v7  }
.Ltmp4:
0x69: {  	_ = 	snop;
	(pc) =	sbr.rel .LBB1_4-.Ltmp4, $1  }
0x6a: {  	_ =	sdelay $0x3  }
.LBB1_6:
0x6b: {  	_ =	sfence.sel $0x180000  }
0x6c: {  	s0 =	simm.s32 $0x1;
	[bflag:$0x0] =	sbarrier.arrive $0xFFFF  }
0x6d: {  	s30 =	simm.s32 $0x2;
	[sflag:s0] =	ssyncpa.u1 $0x1  }
0x6e: {  	[sflag:s30] =	ssyncpa.u1 $0x1  }
0x6f: {  	_ =	strace $0x90000047  }
0x70: {  	s31 =	stileid.u32;
	[bflag:$0x2] =	sbarrier.arrive $0xFFFF  }
0x71: {  	p0 =	sne.s32 s31, $0x0;
	s0 =	rddreg [dreg:$0x2]  }
0x72: {  	s0 =	sadd.s32 @!p0 $0x100000, s0  }
0x73: {  	[sflag:s0] =	ssyncadd.tile.s32 @!p0 $0x1;
	_ =	shalt  }
.Lfunc_end1:
_tile_overlayer_lowered:
.L_overlay_start_2:
0x74: {  	(tag) =	ssettag $0x2  }
0x75: {  	s0 =	rddreg [dreg:$0x0];
	s2 =	stileid.u32  }
0x76: {  	s1 =	rddreg [dreg:$0x1];
	p0 =	sne.s32 s2, $0x0  }
0x77: {  	s3 =	rddreg [dreg:$0x2];
	[bflag:$0x3] =	sbarrier.arrive $0xFFFF;
	s2 =	simm.s32 @!p0 $0x1C01  }
0x78: {  	[timem:s3], [sflag:s2] =	dma.local @!p0 [hbm:s0], s1  }
0x79: {  	s0 =	simm.s32 @!p0 $0x1  }
0x7a: {  	_ =	swait.ge @!p0 [sflag:s0], s1  }
0x7b: {  	s1 =	ssub.s32 @!p0 $0x0, s1;
	[sflag:s0] =	ssyncset.done @!p0 $0x0  }
0x7c: {  	[sflag:s0] =	ssyncadd.s32 @!p0 s1  }
0x7d: {  	[bflag:$0x3] =	sbarrier.arrive $0xFFFF  }
0x7e: {  	_ =	shalt  }

</sc_bundles>
